<compile_context>
chip_gen: v7x
topology: tpu7x:2x2x1
jax: 0.10.2.dev20260603
libtpu: 0.0.44.dev20260713+nightly
codegen_flags: <defaults>
</compile_context>

<pallas_src>
import functools

import jax
import jax.numpy as jnp
from jax import lax
from jax.experimental import pallas as pl
from jax.experimental.pallas import tpu as pltpu
from jax.experimental.pallas import tpu_sc as plsc

_B, _D, _HW = 16, 64, 1024
_K = 1024


def _vq_tc_body(z_ref, cb_ref, codes_ref, loss_ref, c2b_s, cn_s):
    b = pl.program_id(0)

    @pl.when(b == 0)
    def _():
        c = cb_ref[...]
        c2b_s[...] = (2.0 * c).astype(jnp.bfloat16)
        cn_s[...] = jnp.sum(c * c, axis=1, keepdims=True)

    z = z_ref[0]
    s2 = jnp.dot(c2b_s[...], z.astype(jnp.bfloat16),
                 preferred_element_type=jnp.float32)
    dist = cn_s[...] - s2
    m = jnp.min(dist, axis=0)
    codes_ref[0, 0, :] = jnp.argmin(dist, axis=0).astype(jnp.int32)
    part = jnp.reshape(jnp.sum(m) + jnp.sum(z * z), (1, 1))

    @pl.when(b == 0)
    def _():
        loss_ref[...] = part

    @pl.when(b > 0)
    def _():
        loss_ref[...] += part


def _vq_sc_gather(off, cb_hbm, codes_hbm, out_hbm, cb_v, codes_v, out_v,
                  sem):
    wid = lax.axis_index("s") * 2 + lax.axis_index("c")
    b = wid // 4 + off
    nd = _D // 4
    base_d = (wid % 4) * nd
    in0 = pltpu.async_copy(cb_hbm.at[:, pl.ds(base_d, nd)], cb_v, sem)
    in1 = pltpu.async_copy(
        codes_hbm.at[pl.ds((b - off) * _HW, _HW)], codes_v, sem)
    in0.wait()
    in1.wait()

    chunk = nd // 4
    copies = []
    for cstart in range(0, nd, chunk):
        @plsc.parallel_loop(0, _HW // 16, unroll=4)
        def _(j):
            code16 = codes_v[pl.ds(j * 16, 16)]
            for dd in range(cstart, cstart + chunk):
                out_v[dd, pl.ds(j * 16, 16)] = plsc.load_gather(
                    cb_v, [code16, jnp.full((16,), dd, jnp.int32)])
        copies.append(pltpu.async_copy(
            out_v.at[pl.ds(cstart, chunk)],
            out_hbm.at[b, pl.ds(base_d + cstart, chunk)], sem))
    for cp in copies:
        cp.wait()


def _sc_gather_call(codebook, codes_flat, out_ref, off):
    mesh = plsc.VectorSubcoreMesh(core_axis_name="c", subcore_axis_name="s")
    fn = functools.partial(
        pl.kernel,
        mesh=mesh,
        out_type=(),
        scratch_types=[
            pltpu.VMEM((_K, _D // 4), jnp.float32),
            pltpu.VMEM((_HW,), jnp.int32),
            pltpu.VMEM((_D // 4, _HW), jnp.float32),
            pltpu.SemaphoreType.DMA,
        ],
        compiler_params=pltpu.CompilerParams(
            needs_layout_passes=False, use_tc_tiling_on_sc=False),
    )(functools.partial(_vq_sc_gather, off))
    fn(codebook, codes_flat, out_ref)


def _tc_call(z3, codebook, off, nb):
    return pl.pallas_call(
        _vq_tc_body,
        grid=(nb,),
        in_specs=[
            pl.BlockSpec((1, _D, _HW), lambda b: (b + off, 0, 0)),
            pl.BlockSpec((_K, _D), lambda b: (0, 0)),
        ],
        out_specs=[
            pl.BlockSpec((1, 1, _HW), lambda b: (b, 0, 0)),
            pl.BlockSpec((1, 1), lambda b: (0, 0)),
        ],
        out_shape=[
            jax.ShapeDtypeStruct((nb, 1, _HW), jnp.int32),
            jax.ShapeDtypeStruct((1, 1), jnp.float32),
        ],
        scratch_shapes=[
            pltpu.VMEM((_K, _D), jnp.bfloat16),
            pltpu.VMEM((_K, 1), jnp.float32),
        ],
        compiler_params=pltpu.CompilerParams(
            dimension_semantics=("arbitrary",)),
    )(z3, codebook)


def kernel(z_e, codebook):
    B, D, H, W = z_e.shape
    z3 = z_e.reshape(B, D, H * W)
    nb = B // 2
    zq_ref = jax.new_ref(lax.empty((B, D, H * W), jnp.float32))
    codes_a, loss_a = _tc_call(z3, codebook, 0, nb)
    _sc_gather_call(codebook, codes_a.reshape(nb * H * W), zq_ref, 0)
    codes_b, loss_b = _tc_call(z3, codebook, nb, nb)
    _sc_gather_call(codebook, codes_b.reshape(nb * H * W), zq_ref, nb)
    z_q = zq_ref[...].reshape(B, D, H, W)
    indices = jnp.concatenate([codes_a, codes_b], axis=0).reshape(B, H, W)
    vq_loss = (1.25 / (B * D * H * W)) * (loss_a[0, 0] + loss_b[0, 0])
    return (z_q, indices, vq_loss)

# --- scband reference (transcript-rebuilt; emitter-appended) ---
"""Pipeline reference for scband-vector-quantizer-49048526520937 (READ-ONLY COPY).

The authoritative reference and input builder live on the scoring server;
editing this copy changes nothing except your own understanding.
"""

import jax, jax.numpy as jnp
import numpy as np


def setup_inputs(seed: int = 0) -> dict:
    key = jax.random.key(seed)
    k1, k2 = jax.random.split(key)
    z_e = jax.random.normal(k1, (16, 64, 32, 32), dtype=jnp.float32)
    codebook = jax.random.normal(k2, (1024, 64), dtype=jnp.float32)
    return {"z_e": z_e, "codebook": codebook}


def reference(z_e, codebook):
    commitment_cost = 0.25
    B, D, H, W = z_e.shape
    z_flat = jnp.transpose(z_e, (0, 2, 3, 1)).reshape(-1, D)
    distances = (
        jnp.sum(z_flat ** 2, axis=1, keepdims=True)
        - 2.0 * (z_flat @ codebook.T)
        + jnp.sum(codebook ** 2, axis=1)
    )
    codes = jnp.argmin(distances, axis=1)
    z_q_flat = jnp.take(codebook, codes, axis=0)
    z_q = jnp.transpose(z_q_flat.reshape(B, H, W, D), (0, 3, 1, 2))
    z_q_st = z_e + jax.lax.stop_gradient(z_q - z_e)
    codebook_loss = jnp.mean((jax.lax.stop_gradient(z_q) - z_e) ** 2)
    commitment_loss = jnp.mean((z_q - jax.lax.stop_gradient(z_e)) ** 2)
    vq_loss = codebook_loss + commitment_cost * commitment_loss
    indices = codes.reshape(B, H, W)
    return (z_q_st, indices, vq_loss)

if __name__ == "__main__":
    import jax
    _d = setup_inputs()
    print(jax.jit(kernel)(*tuple(_d.values())))

</pallas_src>

<mosaic_0001>
#map = affine_map<(d0, d1) -> (0, 0)>
#map1 = affine_map<(d0, d1) -> (0)>
#map2 = affine_map<(d0, d1) -> (0, 0, 0)>
module attributes {stable_mosaic.version = 14 : i64} {
  func.func @new_body(%arg0: i32, %arg1: i32, %arg2: memref<1024x64xf32, #tpu.memory_space<hbm>>, %arg3: memref<8192xi32, #tpu.memory_space<hbm>>, %arg4: memref<16x64x1024xf32, #tpu.memory_space<hbm>>, %arg5: memref<16x64x1024xf32, #tpu.memory_space<hbm>>, %arg6: memref<1024x16xf32, #tpu.memory_space<vmem>>, %arg7: memref<1024xi32, #tpu.memory_space<vmem>>, %arg8: memref<16x1024xf32, #tpu.memory_space<vmem>>, %arg9: memref<!tpu.dma_semaphore, #tpu.memory_space<semaphore_mem>>) attributes {dimension_semantics = [#tpu.dimension_semantics<core_parallel>, #tpu.dimension_semantics<subcore_parallel>], iteration_bounds = array<i64: 2, 16>, scalar_prefetch = 0 : i64, scratch_operands = 4 : i64, tpu.core_type = #tpu.core_type<sc_vector_subcore>, window_params = [{transform_indices = #map}, {transform_indices = #map1}, {transform_indices = #map2}, {transform_indices = #map2}]} {
    %mul3A = arith.constant 2 : i32
    %mul3A_0 = arith.muli %arg1, %mul3A : i32
    %add3A = arith.addi %mul3A_0, %arg0 : i32
    %jit3A = arith.constant 4 : i32
    %div3A = arith.divsi %add3A, %jit3A : i32
    %sign3A = arith.constant 0 : i32
    %sign3A_1 = arith.cmpi sgt, %add3A, %sign3A : i32
    %sign3A_2 = arith.extui %sign3A_1 : i1 to i32
    %sign3A_3 = arith.constant 0 : i32
    %sign3A_4 = arith.cmpi slt, %add3A, %sign3A_3 : i32
    %sign3A_5 = arith.extui %sign3A_4 : i1 to i32
    %sign3A_6 = arith.subi %sign3A_2, %sign3A_5 : i32
    %sign3A_7 = arith.constant 0 : i32
    %sign3A_8 = arith.cmpi sgt, %jit3A, %sign3A_7 : i32
    %sign3A_9 = arith.extui %sign3A_8 : i1 to i32
    %sign3A_10 = arith.constant 0 : i32
    %sign3A_11 = arith.cmpi slt, %jit3A, %sign3A_10 : i32
    %sign3A_12 = arith.extui %sign3A_11 : i1 to i32
    %sign3A_13 = arith.subi %sign3A_9, %sign3A_12 : i32
    %ne3A = arith.cmpi ne, %sign3A_6, %sign3A_13 : i32
    %rem3A = arith.remsi %add3A, %jit3A : i32
    %ne3A_14 = arith.constant 0 : i32
    %ne3A_15 = arith.cmpi ne, %rem3A, %ne3A_14 : i32
    %and3A = arith.andi %ne3A, %ne3A_15 : i1
    %sub3A = arith.constant 1 : i32
    %sub3A_16 = arith.subi %div3A, %sub3A : i32
    %select_n3A = arith.select %and3A, %sub3A_16, %div3A : i32
    %add3A_17 = arith.constant 0 : i32
    %add3A_18 = arith.addi %select_n3A, %add3A_17 : i32
    %jit3A_19 = arith.constant 4 : i32
    %eq3A = arith.constant 0 : i32
    %eq3A_20 = arith.cmpi eq, %jit3A_19, %eq3A : i32
    %jit3A_21 = arith.constant 1 : i32
    %select_n3A_22 = arith.select %eq3A_20, %jit3A_21, %jit3A_19 : i32
    %rem3A_23 = arith.remsi %add3A, %select_n3A_22 : i32
    %ne3A_24 = arith.constant 0 : i32
    %ne3A_25 = arith.cmpi ne, %rem3A_23, %ne3A_24 : i32
    %lt3A = arith.constant 0 : i32
    %lt3A_26 = arith.cmpi slt, %rem3A_23, %lt3A : i32
    %lt3A_27 = arith.constant 0 : i32
    %lt3A_28 = arith.cmpi slt, %select_n3A_22, %lt3A_27 : i32
    %ne3A_29 = arith.xori %lt3A_26, %lt3A_28 : i1
    %and3A_30 = arith.andi %ne3A_29, %ne3A_25 : i1
    %add3A_31 = arith.addi %rem3A_23, %select_n3A_22 : i32
    %select_n3A_32 = arith.select %and3A_30, %add3A_31, %rem3A_23 : i32
    %mul3A_33 = arith.constant 16 : i32
    %mul3A_34 = arith.muli %select_n3A_32, %mul3A_33 : i32
    %dma_start3A = arith.constant 0 : i32
    %dma_start3A_35 = tpu.memref_slice %arg2[%dma_start3A, %mul3A_34] : memref<1024x64xf32, #tpu.memory_space<hbm>> -> memref<1024x16xf32, #tpu.memory_space<hbm>>
    %dma_start3A_36 = arith.constant 0 : i32
    %dma_start3A_37 = tpu.memref_slice %arg2[%dma_start3A_36, %mul3A_34] : memref<1024x64xf32, #tpu.memory_space<hbm>> -> memref<1024x16xf32, #tpu.memory_space<hbm>>
    tpu.enqueue_dma source(%dma_start3A_37 : memref<1024x16xf32, #tpu.memory_space<hbm>>) target(%arg6 : memref<1024x16xf32, #tpu.memory_space<vmem>>) target_semaphore(%arg9 : memref<!tpu.dma_semaphore, #tpu.memory_space<semaphore_mem>>)
    %sub3A_38 = arith.constant 0 : i32
    %sub3A_39 = arith.subi %add3A_18, %sub3A_38 : i32
    %mul3A_40 = arith.constant 1024 : i32
    %mul3A_41 = arith.muli %sub3A_39, %mul3A_40 : i32
    %dma_start3A_42 = tpu.memref_slice %arg3[%mul3A_41] : memref<8192xi32, #tpu.memory_space<hbm>> -> memref<1024xi32, #tpu.memory_space<hbm>>
    %dma_start3A_43 = tpu.memref_slice %arg3[%mul3A_41] : memref<8192xi32, #tpu.memory_space<hbm>> -> memref<1024xi32, #tpu.memory_space<hbm>>
    tpu.enqueue_dma source(%dma_start3A_43 : memref<1024xi32, #tpu.memory_space<hbm>>) target(%arg7 : memref<1024xi32, #tpu.memory_space<vmem>>) target_semaphore(%arg9 : memref<!tpu.dma_semaphore, #tpu.memory_space<semaphore_mem>>)
    %dma_wait3A = arith.constant 0 : i32
    %dma_wait3A_44 = tpu.memref_slice %arg2[%dma_wait3A, %mul3A_34] : memref<1024x64xf32, #tpu.memory_space<hbm>> -> memref<1024x16xf32, #tpu.memory_space<hbm>>
    %dma_wait3A_45 = arith.constant 0 : i32
    %dma_wait3A_46 = tpu.memref_slice %arg2[%dma_wait3A_45, %mul3A_34] : memref<1024x64xf32, #tpu.memory_space<hbm>> -> memref<1024x16xf32, #tpu.memory_space<hbm>>
    tpu.wait_dma2 semaphore(%arg9 : memref<!tpu.dma_semaphore, #tpu.memory_space<semaphore_mem>>) src(%dma_wait3A_46 : memref<1024x16xf32, #tpu.memory_space<hbm>>) dst(%arg6 : memref<1024x16xf32, #tpu.memory_space<vmem>>)
    %dma_wait3A_47 = tpu.memref_slice %arg3[%mul3A_41] : memref<8192xi32, #tpu.memory_space<hbm>> -> memref<1024xi32, #tpu.memory_space<hbm>>
    %dma_wait3A_48 = tpu.memref_slice %arg3[%mul3A_41] : memref<8192xi32, #tpu.memory_space<hbm>> -> memref<1024xi32, #tpu.memory_space<hbm>>
    tpu.wait_dma2 semaphore(%arg9 : memref<!tpu.dma_semaphore, #tpu.memory_space<semaphore_mem>>) src(%dma_wait3A_48 : memref<1024xi32, #tpu.memory_space<hbm>>) dst(%arg7 : memref<1024xi32, #tpu.memory_space<vmem>>)
    %parallel_loop3A = arith.constant 0 : i32
    %parallel_loop3A_49 = arith.constant 64 : i32
    %parallel_loop3A_50 = arith.constant 1 : i32
    scf.for %parallel_loop3A_164 = %parallel_loop3A to %parallel_loop3A_49 step %parallel_loop3A_50  : i32 {
      %parallel_loop3A_165 = arith.constant 16 : i32
      %parallel_loop3A_166 = arith.muli %parallel_loop3A_164, %parallel_loop3A_165 : i32
      %parallel_loop3A_167 = arith.index_cast %parallel_loop3A_166 : i32 to index
      %parallel_loop3A_168 = tpu.vector_load %arg7[%parallel_loop3A_167] {strides = array<i32>} : memref<1024xi32, #tpu.memory_space<vmem>>, vector<16xi32>,
      %parallel_loop3A_169 = arith.constant 0 : i32
      %parallel_loop3A_170 = vector.broadcast %parallel_loop3A_169 : i32 to vector<16xi32>
      %parallel_loop3A_171 = tpu.vector_load_idx %arg6[%parallel_loop3A_168, %parallel_loop3A_170] : memref<1024x16xf32, #tpu.memory_space<vmem>>[vector<16xi32>, vector<16xi32>], vector<16xf32>,
      %parallel_loop3A_172 = arith.constant 16 : i32
      %parallel_loop3A_173 = arith.muli %parallel_loop3A_164, %parallel_loop3A_172 : i32
      %parallel_loop3A_174 = arith.constant 0 : i32
      %parallel_loop3A_175 = arith.index_cast %parallel_loop3A_174 : i32 to index
      %parallel_loop3A_176 = arith.index_cast %parallel_loop3A_173 : i32 to index
      %parallel_loop3A_177 = tpu.vector_load %arg8[%parallel_loop3A_175, %parallel_loop3A_176] {strides = array<i32>} : memref<16x1024xf32, #tpu.memory_space<vmem>>, vector<16xf32>,
      tpu.vector_store %arg8[%parallel_loop3A_175, %parallel_loop3A_176], %parallel_loop3A_171 {strides = array<i32>} : memref<16x1024xf32, #tpu.memory_space<vmem>>, vector<16xf32>,
      %parallel_loop3A_178 = arith.constant 1 : i32
      %parallel_loop3A_179 = vector.broadcast %parallel_loop3A_178 : i32 to vector<16xi32>
      %parallel_loop3A_180 = tpu.vector_load_idx %arg6[%parallel_loop3A_168, %parallel_loop3A_179] : memref<1024x16xf32, #tpu.memory_space<vmem>>[vector<16xi32>, vector<16xi32>], vector<16xf32>,
      %parallel_loop3A_181 = arith.constant 16 : i32
      %parallel_loop3A_182 = arith.muli %parallel_loop3A_164, %parallel_loop3A_181 : i32
      %parallel_loop3A_183 = arith.constant 1 : i32
      %parallel_loop3A_184 = arith.index_cast %parallel_loop3A_183 : i32 to index
      %parallel_loop3A_185 = arith.index_cast %parallel_loop3A_182 : i32 to index
      %parallel_loop3A_186 = tpu.vector_load %arg8[%parallel_loop3A_184, %parallel_loop3A_185] {strides = array<i32>} : memref<16x1024xf32, #tpu.memory_space<vmem>>, vector<16xf32>,
      tpu.vector_store %arg8[%parallel_loop3A_184, %parallel_loop3A_185], %parallel_loop3A_180 {strides = array<i32>} : memref<16x1024xf32, #tpu.memory_space<vmem>>, vector<16xf32>,
      %parallel_loop3A_187 = arith.constant 2 : i32
      %parallel_loop3A_188 = vector.broadcast %parallel_loop3A_187 : i32 to vector<16xi32>
      %parallel_loop3A_189 = tpu.vector_load_idx %arg6[%parallel_loop3A_168, %parallel_loop3A_188] : memref<1024x16xf32, #tpu.memory_space<vmem>>[vector<16xi32>, vector<16xi32>], vector<16xf32>,
      %parallel_loop3A_190 = arith.constant 16 : i32
      %parallel_loop3A_191 = arith.muli %parallel_loop3A_164, %parallel_loop3A_190 : i32
      %parallel_loop3A_192 = arith.constant 2 : i32
      %parallel_loop3A_193 = arith.index_cast %parallel_loop3A_192 : i32 to index
      %parallel_loop3A_194 = arith.index_cast %parallel_loop3A_191 : i32 to index
      %parallel_loop3A_195 = tpu.vector_load %arg8[%parallel_loop3A_193, %parallel_loop3A_194] {strides = array<i32>} : memref<16x1024xf32, #tpu.memory_space<vmem>>, vector<16xf32>,
      tpu.vector_store %arg8[%parallel_loop3A_193, %parallel_loop3A_194], %parallel_loop3A_189 {strides = array<i32>} : memref<16x1024xf32, #tpu.memory_space<vmem>>, vector<16xf32>,
      %parallel_loop3A_196 = arith.constant 3 : i32
      %parallel_loop3A_197 = vector.broadcast %parallel_loop3A_196 : i32 to vector<16xi32>
      %parallel_loop3A_198 = tpu.vector_load_idx %arg6[%parallel_loop3A_168, %parallel_loop3A_197] : memref<1024x16xf32, #tpu.memory_space<vmem>>[vector<16xi32>, vector<16xi32>], vector<16xf32>,
      %parallel_loop3A_199 = arith.constant 16 : i32
      %parallel_loop3A_200 = arith.muli %parallel_loop3A_164, %parallel_loop3A_199 : i32
      %parallel_loop3A_201 = arith.constant 3 : i32
      %parallel_loop3A_202 = arith.index_cast %parallel_loop3A_201 : i32 to index
      %parallel_loop3A_203 = arith.index_cast %parallel_loop3A_200 : i32 to index
      %parallel_loop3A_204 = tpu.vector_load %arg8[%parallel_loop3A_202, %parallel_loop3A_203] {strides = array<i32>} : memref<16x1024xf32, #tpu.memory_space<vmem>>, vector<16xf32>,
      tpu.vector_store %arg8[%parallel_loop3A_202, %parallel_loop3A_203], %parallel_loop3A_198 {strides = array<i32>} : memref<16x1024xf32, #tpu.memory_space<vmem>>, vector<16xf32>,
    } {sc.loop_unroll_factor = 4 : i64, sc.parallel_access}
    %add3A_51 = arith.constant 0 : i32
    %add3A_52 = arith.addi %mul3A_34, %add3A_51 : i32
    %dma_start3A_53 = arith.constant 0 : i32
    %dma_start3A_54 = arith.constant 0 : i32
    %dma_start3A_55 = tpu.memref_slice %arg8[%dma_start3A_53, %dma_start3A_54] : memref<16x1024xf32, #tpu.memory_space<vmem>> -> memref<4x1024xf32, #tpu.memory_space<vmem>>
    %dma_start3A_56 = arith.constant 0 : i32
    %dma_start3A_57 = tpu.memref_slice %arg4[%add3A_18, %add3A_52, %dma_start3A_56] : memref<16x64x1024xf32, #tpu.memory_space<hbm>> -> memref<1x4x1024xf32, #tpu.memory_space<hbm>>
    %dma_start3A_58 = tpu.memref_squeeze %dma_start3A_57 : memref<1x4x1024xf32, #tpu.memory_space<hbm>> -> memref<4x1024xf32, #tpu.memory_space<hbm>>
    %dma_start3A_59 = arith.constant 0 : i32
    %dma_start3A_60 = tpu.memref_slice %arg4[%add3A_18, %add3A_52, %dma_start3A_59] : memref<16x64x1024xf32, #tpu.memory_space<hbm>> -> memref<1x4x1024xf32, #tpu.memory_space<hbm>>
    %dma_start3A_61 = tpu.memref_squeeze %dma_start3A_60 : memref<1x4x1024xf32, #tpu.memory_space<hbm>> -> memref<4x1024xf32, #tpu.memory_space<hbm>>
    %dma_start3A_62 = arith.constant 0 : i32
    %dma_start3A_63 = arith.constant 0 : i32
    %dma_start3A_64 = tpu.memref_slice %arg8[%dma_start3A_62, %dma_start3A_63] : memref<16x1024xf32, #tpu.memory_space<vmem>> -> memref<4x1024xf32, #tpu.memory_space<vmem>>
    tpu.enqueue_dma source(%dma_start3A_64 : memref<4x1024xf32, #tpu.memory_space<vmem>>) target(%dma_start3A_61 : memref<4x1024xf32, #tpu.memory_space<hbm>>) target_semaphore(%arg9 : memref<!tpu.dma_semaphore, #tpu.memory_space<semaphore_mem>>)
    %parallel_loop3A_65 = arith.constant 0 : i32
    %parallel_loop3A_66 = arith.constant 64 : i32
    %parallel_loop3A_67 = arith.constant 1 : i32
    scf.for %parallel_loop3A_164 = %parallel_loop3A_65 to %parallel_loop3A_66 step %parallel_loop3A_67  : i32 {
      %parallel_loop3A_165 = arith.constant 16 : i32
      %parallel_loop3A_166 = arith.muli %parallel_loop3A_164, %parallel_loop3A_165 : i32
      %parallel_loop3A_167 = arith.index_cast %parallel_loop3A_166 : i32 to index
      %parallel_loop3A_168 = tpu.vector_load %arg7[%parallel_loop3A_167] {strides = array<i32>} : memref<1024xi32, #tpu.memory_space<vmem>>, vector<16xi32>,
      %parallel_loop3A_169 = arith.constant 4 : i32
      %parallel_loop3A_170 = vector.broadcast %parallel_loop3A_169 : i32 to vector<16xi32>
      %parallel_loop3A_171 = tpu.vector_load_idx %arg6[%parallel_loop3A_168, %parallel_loop3A_170] : memref<1024x16xf32, #tpu.memory_space<vmem>>[vector<16xi32>, vector<16xi32>], vector<16xf32>,
      %parallel_loop3A_172 = arith.constant 16 : i32
      %parallel_loop3A_173 = arith.muli %parallel_loop3A_164, %parallel_loop3A_172 : i32
      %parallel_loop3A_174 = arith.constant 4 : i32
      %parallel_loop3A_175 = arith.index_cast %parallel_loop3A_174 : i32 to index
      %parallel_loop3A_176 = arith.index_cast %parallel_loop3A_173 : i32 to index
      %parallel_loop3A_177 = tpu.vector_load %arg8[%parallel_loop3A_175, %parallel_loop3A_176] {strides = array<i32>} : memref<16x1024xf32, #tpu.memory_space<vmem>>, vector<16xf32>,
      tpu.vector_store %arg8[%parallel_loop3A_175, %parallel_loop3A_176], %parallel_loop3A_171 {strides = array<i32>} : memref<16x1024xf32, #tpu.memory_space<vmem>>, vector<16xf32>,
      %parallel_loop3A_178 = arith.constant 5 : i32
      %parallel_loop3A_179 = vector.broadcast %parallel_loop3A_178 : i32 to vector<16xi32>
      %parallel_loop3A_180 = tpu.vector_load_idx %arg6[%parallel_loop3A_168, %parallel_loop3A_179] : memref<1024x16xf32, #tpu.memory_space<vmem>>[vector<16xi32>, vector<16xi32>], vector<16xf32>,
      %parallel_loop3A_181 = arith.constant 16 : i32
      %parallel_loop3A_182 = arith.muli %parallel_loop3A_164, %parallel_loop3A_181 : i32
      %parallel_loop3A_183 = arith.constant 5 : i32
      %parallel_loop3A_184 = arith.index_cast %parallel_loop3A_183 : i32 to index
      %parallel_loop3A_185 = arith.index_cast %parallel_loop3A_182 : i32 to index
      %parallel_loop3A_186 = tpu.vector_load %arg8[%parallel_loop3A_184, %parallel_loop3A_185] {strides = array<i32>} : memref<16x1024xf32, #tpu.memory_space<vmem>>, vector<16xf32>,
      tpu.vector_store %arg8[%parallel_loop3A_184, %parallel_loop3A_185], %parallel_loop3A_180 {strides = array<i32>} : memref<16x1024xf32, #tpu.memory_space<vmem>>, vector<16xf32>,
      %parallel_loop3A_187 = arith.constant 6 : i32
      %parallel_loop3A_188 = vector.broadcast %parallel_loop3A_187 : i32 to vector<16xi32>
      %parallel_loop3A_189 = tpu.vector_load_idx %arg6[%parallel_loop3A_168, %parallel_loop3A_188] : memref<1024x16xf32, #tpu.memory_space<vmem>>[vector<16xi32>, vector<16xi32>], vector<16xf32>,
      %parallel_loop3A_190 = arith.constant 16 : i32
      %parallel_loop3A_191 = arith.muli %parallel_loop3A_164, %parallel_loop3A_190 : i32
      %parallel_loop3A_192 = arith.constant 6 : i32
      %parallel_loop3A_193 = arith.index_cast %parallel_loop3A_192 : i32 to index
      %parallel_loop3A_194 = arith.index_cast %parallel_loop3A_191 : i32 to index
      %parallel_loop3A_195 = tpu.vector_load %arg8[%parallel_loop3A_193, %parallel_loop3A_194] {strides = array<i32>} : memref<16x1024xf32, #tpu.memory_space<vmem>>, vector<16xf32>,
      tpu.vector_store %arg8[%parallel_loop3A_193, %parallel_loop3A_194], %parallel_loop3A_189 {strides = array<i32>} : memref<16x1024xf32, #tpu.memory_space<vmem>>, vector<16xf32>,
      %parallel_loop3A_196 = arith.constant 7 : i32
      %parallel_loop3A_197 = vector.broadcast %parallel_loop3A_196 : i32 to vector<16xi32>
      %parallel_loop3A_198 = tpu.vector_load_idx %arg6[%parallel_loop3A_168, %parallel_loop3A_197] : memref<1024x16xf32, #tpu.memory_space<vmem>>[vector<16xi32>, vector<16xi32>], vector<16xf32>,
      %parallel_loop3A_199 = arith.constant 16 : i32
      %parallel_loop3A_200 = arith.muli %parallel_loop3A_164, %parallel_loop3A_199 : i32
      %parallel_loop3A_201 = arith.constant 7 : i32
      %parallel_loop3A_202 = arith.index_cast %parallel_loop3A_201 : i32 to index
      %parallel_loop3A_203 = arith.index_cast %parallel_loop3A_200 : i32 to index
      %parallel_loop3A_204 = tpu.vector_load %arg8[%parallel_loop3A_202, %parallel_loop3A_203] {strides = array<i32>} : memref<16x1024xf32, #tpu.memory_space<vmem>>, vector<16xf32>,
      tpu.vector_store %arg8[%parallel_loop3A_202, %parallel_loop3A_203], %parallel_loop3A_198 {strides = array<i32>} : memref<16x1024xf32, #tpu.memory_space<vmem>>, vector<16xf32>,
    } {sc.loop_unroll_factor = 4 : i64, sc.parallel_access}
    %add3A_68 = arith.constant 4 : i32
    %add3A_69 = arith.addi %mul3A_34, %add3A_68 : i32
    %dma_start3A_70 = arith.constant 4 : i32
    %dma_start3A_71 = arith.constant 0 : i32
    %dma_start3A_72 = tpu.memref_slice %arg8[%dma_start3A_70, %dma_start3A_71] : memref<16x1024xf32, #tpu.memory_space<vmem>> -> memref<4x1024xf32, #tpu.memory_space<vmem>>
    %dma_start3A_73 = arith.constant 0 : i32
    %dma_start3A_74 = tpu.memref_slice %arg4[%add3A_18, %add3A_69, %dma_start3A_73] : memref<16x64x1024xf32, #tpu.memory_space<hbm>> -> memref<1x4x1024xf32, #tpu.memory_space<hbm>>
    %dma_start3A_75 = tpu.memref_squeeze %dma_start3A_74 : memref<1x4x1024xf32, #tpu.memory_space<hbm>> -> memref<4x1024xf32, #tpu.memory_space<hbm>>
    %dma_start3A_76 = arith.constant 0 : i32
    %dma_start3A_77 = tpu.memref_slice %arg4[%add3A_18, %add3A_69, %dma_start3A_76] : memref<16x64x1024xf32, #tpu.memory_space<hbm>> -> memref<1x4x1024xf32, #tpu.memory_space<hbm>>
    %dma_start3A_78 = tpu.memref_squeeze %dma_start3A_77 : memref<1x4x1024xf32, #tpu.memory_space<hbm>> -> memref<4x1024xf32, #tpu.memory_space<hbm>>
    %dma_start3A_79 = arith.constant 4 : i32
    %dma_start3A_80 = arith.constant 0 : i32
    %dma_start3A_81 = tpu.memref_slice %arg8[%dma_start3A_79, %dma_start3A_80] : memref<16x1024xf32, #tpu.memory_space<vmem>> -> memref<4x1024xf32, #tpu.memory_space<vmem>>
    tpu.enqueue_dma source(%dma_start3A_81 : memref<4x1024xf32, #tpu.memory_space<vmem>>) target(%dma_start3A_78 : memref<4x1024xf32, #tpu.memory_space<hbm>>) target_semaphore(%arg9 : memref<!tpu.dma_semaphore, #tpu.memory_space<semaphore_mem>>)
    %parallel_loop3A_82 = arith.constant 0 : i32
    %parallel_loop3A_83 = arith.constant 64 : i32
    %parallel_loop3A_84 = arith.constant 1 : i32
    scf.for %parallel_loop3A_164 = %parallel_loop3A_82 to %parallel_loop3A_83 step %parallel_loop3A_84  : i32 {
      %parallel_loop3A_165 = arith.constant 16 : i32
      %parallel_loop3A_166 = arith.muli %parallel_loop3A_164, %parallel_loop3A_165 : i32
      %parallel_loop3A_167 = arith.index_cast %parallel_loop3A_166 : i32 to index
      %parallel_loop3A_168 = tpu.vector_load %arg7[%parallel_loop3A_167] {strides = array<i32>} : memref<1024xi32, #tpu.memory_space<vmem>>, vector<16xi32>,
      %parallel_loop3A_169 = arith.constant 8 : i32
      %parallel_loop3A_170 = vector.broadcast %parallel_loop3A_169 : i32 to vector<16xi32>
      %parallel_loop3A_171 = tpu.vector_load_idx %arg6[%parallel_loop3A_168, %parallel_loop3A_170] : memref<1024x16xf32, #tpu.memory_space<vmem>>[vector<16xi32>, vector<16xi32>], vector<16xf32>,
      %parallel_loop3A_172 = arith.constant 16 : i32
      %parallel_loop3A_173 = arith.muli %parallel_loop3A_164, %parallel_loop3A_172 : i32
      %parallel_loop3A_174 = arith.constant 8 : i32
      %parallel_loop3A_175 = arith.index_cast %parallel_loop3A_174 : i32 to index
      %parallel_loop3A_176 = arith.index_cast %parallel_loop3A_173 : i32 to index
      %parallel_loop3A_177 = tpu.vector_load %arg8[%parallel_loop3A_175, %parallel_loop3A_176] {strides = array<i32>} : memref<16x1024xf32, #tpu.memory_space<vmem>>, vector<16xf32>,
      tpu.vector_store %arg8[%parallel_loop3A_175, %parallel_loop3A_176], %parallel_loop3A_171 {strides = array<i32>} : memref<16x1024xf32, #tpu.memory_space<vmem>>, vector<16xf32>,
      %parallel_loop3A_178 = arith.constant 9 : i32
      %parallel_loop3A_179 = vector.broadcast %parallel_loop3A_178 : i32 to vector<16xi32>
      %parallel_loop3A_180 = tpu.vector_load_idx %arg6[%parallel_loop3A_168, %parallel_loop3A_179] : memref<1024x16xf32, #tpu.memory_space<vmem>>[vector<16xi32>, vector<16xi32>], vector<16xf32>,
      %parallel_loop3A_181 = arith.constant 16 : i32
      %parallel_loop3A_182 = arith.muli %parallel_loop3A_164, %parallel_loop3A_181 : i32
      %parallel_loop3A_183 = arith.constant 9 : i32
      %parallel_loop3A_184 = arith.index_cast %parallel_loop3A_183 : i32 to index
      %parallel_loop3A_185 = arith.index_cast %parallel_loop3A_182 : i32 to index
      %parallel_loop3A_186 = tpu.vector_load %arg8[%parallel_loop3A_184, %parallel_loop3A_185] {strides = array<i32>} : memref<16x1024xf32, #tpu.memory_space<vmem>>, vector<16xf32>,
      tpu.vector_store %arg8[%parallel_loop3A_184, %parallel_loop3A_185], %parallel_loop3A_180 {strides = array<i32>} : memref<16x1024xf32, #tpu.memory_space<vmem>>, vector<16xf32>,
      %parallel_loop3A_187 = arith.constant 10 : i32
      %parallel_loop3A_188 = vector.broadcast %parallel_loop3A_187 : i32 to vector<16xi32>
      %parallel_loop3A_189 = tpu.vector_load_idx %arg6[%parallel_loop3A_168, %parallel_loop3A_188] : memref<1024x16xf32, #tpu.memory_space<vmem>>[vector<16xi32>, vector<16xi32>], vector<16xf32>,
      %parallel_loop3A_190 = arith.constant 16 : i32
      %parallel_loop3A_191 = arith.muli %parallel_loop3A_164, %parallel_loop3A_190 : i32
      %parallel_loop3A_192 = arith.constant 10 : i32
      %parallel_loop3A_193 = arith.index_cast %parallel_loop3A_192 : i32 to index
      %parallel_loop3A_194 = arith.index_cast %parallel_loop3A_191 : i32 to index
      %parallel_loop3A_195 = tpu.vector_load %arg8[%parallel_loop3A_193, %parallel_loop3A_194] {strides = array<i32>} : memref<16x1024xf32, #tpu.memory_space<vmem>>, vector<16xf32>,
      tpu.vector_store %arg8[%parallel_loop3A_193, %parallel_loop3A_194], %parallel_loop3A_189 {strides = array<i32>} : memref<16x1024xf32, #tpu.memory_space<vmem>>, vector<16xf32>,
      %parallel_loop3A_196 = arith.constant 11 : i32
      %parallel_loop3A_197 = vector.broadcast %parallel_loop3A_196 : i32 to vector<16xi32>
      %parallel_loop3A_198 = tpu.vector_load_idx %arg6[%parallel_loop3A_168, %parallel_loop3A_197] : memref<1024x16xf32, #tpu.memory_space<vmem>>[vector<16xi32>, vector<16xi32>], vector<16xf32>,
      %parallel_loop3A_199 = arith.constant 16 : i32
      %parallel_loop3A_200 = arith.muli %parallel_loop3A_164, %parallel_loop3A_199 : i32
      %parallel_loop3A_201 = arith.constant 11 : i32
      %parallel_loop3A_202 = arith.index_cast %parallel_loop3A_201 : i32 to index
      %parallel_loop3A_203 = arith.index_cast %parallel_loop3A_200 : i32 to index
      %parallel_loop3A_204 = tpu.vector_load %arg8[%parallel_loop3A_202, %parallel_loop3A_203] {strides = array<i32>} : memref<16x1024xf32, #tpu.memory_space<vmem>>, vector<16xf32>,
      tpu.vector_store %arg8[%parallel_loop3A_202, %parallel_loop3A_203], %parallel_loop3A_198 {strides = array<i32>} : memref<16x1024xf32, #tpu.memory_space<vmem>>, vector<16xf32>,
    } {sc.loop_unroll_factor = 4 : i64, sc.parallel_access}
    %add3A_85 = arith.constant 8 : i32
    %add3A_86 = arith.addi %mul3A_34, %add3A_85 : i32
    %dma_start3A_87 = arith.constant 8 : i32
    %dma_start3A_88 = arith.constant 0 : i32
    %dma_start3A_89 = tpu.memref_slice %arg8[%dma_start3A_87, %dma_start3A_88] : memref<16x1024xf32, #tpu.memory_space<vmem>> -> memref<4x1024xf32, #tpu.memory_space<vmem>>
    %dma_start3A_90 = arith.constant 0 : i32
    %dma_start3A_91 = tpu.memref_slice %arg4[%add3A_18, %add3A_86, %dma_start3A_90] : memref<16x64x1024xf32, #tpu.memory_space<hbm>> -> memref<1x4x1024xf32, #tpu.memory_space<hbm>>
    %dma_start3A_92 = tpu.memref_squeeze %dma_start3A_91 : memref<1x4x1024xf32, #tpu.memory_space<hbm>> -> memref<4x1024xf32, #tpu.memory_space<hbm>>
    %dma_start3A_93 = arith.constant 0 : i32
    %dma_start3A_94 = tpu.memref_slice %arg4[%add3A_18, %add3A_86, %dma_start3A_93] : memref<16x64x1024xf32, #tpu.memory_space<hbm>> -> memref<1x4x1024xf32, #tpu.memory_space<hbm>>
    %dma_start3A_95 = tpu.memref_squeeze %dma_start3A_94 : memref<1x4x1024xf32, #tpu.memory_space<hbm>> -> memref<4x1024xf32, #tpu.memory_space<hbm>>
    %dma_start3A_96 = arith.constant 8 : i32
    %dma_start3A_97 = arith.constant 0 : i32
    %dma_start3A_98 = tpu.memref_slice %arg8[%dma_start3A_96, %dma_start3A_97] : memref<16x1024xf32, #tpu.memory_space<vmem>> -> memref<4x1024xf32, #tpu.memory_space<vmem>>
    tpu.enqueue_dma source(%dma_start3A_98 : memref<4x1024xf32, #tpu.memory_space<vmem>>) target(%dma_start3A_95 : memref<4x1024xf32, #tpu.memory_space<hbm>>) target_semaphore(%arg9 : memref<!tpu.dma_semaphore, #tpu.memory_space<semaphore_mem>>)
    %parallel_loop3A_99 = arith.constant 0 : i32
    %parallel_loop3A_100 = arith.constant 64 : i32
    %parallel_loop3A_101 = arith.constant 1 : i32
    scf.for %parallel_loop3A_164 = %parallel_loop3A_99 to %parallel_loop3A_100 step %parallel_loop3A_101  : i32 {
      %parallel_loop3A_165 = arith.constant 16 : i32
      %parallel_loop3A_166 = arith.muli %parallel_loop3A_164, %parallel_loop3A_165 : i32
      %parallel_loop3A_167 = arith.index_cast %parallel_loop3A_166 : i32 to index
      %parallel_loop3A_168 = tpu.vector_load %arg7[%parallel_loop3A_167] {strides = array<i32>} : memref<1024xi32, #tpu.memory_space<vmem>>, vector<16xi32>,
      %parallel_loop3A_169 = arith.constant 12 : i32
      %parallel_loop3A_170 = vector.broadcast %parallel_loop3A_169 : i32 to vector<16xi32>
      %parallel_loop3A_171 = tpu.vector_load_idx %arg6[%parallel_loop3A_168, %parallel_loop3A_170] : memref<1024x16xf32, #tpu.memory_space<vmem>>[vector<16xi32>, vector<16xi32>], vector<16xf32>,
      %parallel_loop3A_172 = arith.constant 16 : i32
      %parallel_loop3A_173 = arith.muli %parallel_loop3A_164, %parallel_loop3A_172 : i32
      %parallel_loop3A_174 = arith.constant 12 : i32
      %parallel_loop3A_175 = arith.index_cast %parallel_loop3A_174 : i32 to index
      %parallel_loop3A_176 = arith.index_cast %parallel_loop3A_173 : i32 to index
      %parallel_loop3A_177 = tpu.vector_load %arg8[%parallel_loop3A_175, %parallel_loop3A_176] {strides = array<i32>} : memref<16x1024xf32, #tpu.memory_space<vmem>>, vector<16xf32>,
      tpu.vector_store %arg8[%parallel_loop3A_175, %parallel_loop3A_176], %parallel_loop3A_171 {strides = array<i32>} : memref<16x1024xf32, #tpu.memory_space<vmem>>, vector<16xf32>,
      %parallel_loop3A_178 = arith.constant 13 : i32
      %parallel_loop3A_179 = vector.broadcast %parallel_loop3A_178 : i32 to vector<16xi32>
      %parallel_loop3A_180 = tpu.vector_load_idx %arg6[%parallel_loop3A_168, %parallel_loop3A_179] : memref<1024x16xf32, #tpu.memory_space<vmem>>[vector<16xi32>, vector<16xi32>], vector<16xf32>,
      %parallel_loop3A_181 = arith.constant 16 : i32
      %parallel_loop3A_182 = arith.muli %parallel_loop3A_164, %parallel_loop3A_181 : i32
      %parallel_loop3A_183 = arith.constant 13 : i32
      %parallel_loop3A_184 = arith.index_cast %parallel_loop3A_183 : i32 to index
      %parallel_loop3A_185 = arith.index_cast %parallel_loop3A_182 : i32 to index
      %parallel_loop3A_186 = tpu.vector_load %arg8[%parallel_loop3A_184, %parallel_loop3A_185] {strides = array<i32>} : memref<16x1024xf32, #tpu.memory_space<vmem>>, vector<16xf32>,
      tpu.vector_store %arg8[%parallel_loop3A_184, %parallel_loop3A_185], %parallel_loop3A_180 {strides = array<i32>} : memref<16x1024xf32, #tpu.memory_space<vmem>>, vector<16xf32>,
      %parallel_loop3A_187 = arith.constant 14 : i32
      %parallel_loop3A_188 = vector.broadcast %parallel_loop3A_187 : i32 to vector<16xi32>
      %parallel_loop3A_189 = tpu.vector_load_idx %arg6[%parallel_loop3A_168, %parallel_loop3A_188] : memref<1024x16xf32, #tpu.memory_space<vmem>>[vector<16xi32>, vector<16xi32>], vector<16xf32>,
      %parallel_loop3A_190 = arith.constant 16 : i32
      %parallel_loop3A_191 = arith.muli %parallel_loop3A_164, %parallel_loop3A_190 : i32
      %parallel_loop3A_192 = arith.constant 14 : i32
      %parallel_loop3A_193 = arith.index_cast %parallel_loop3A_192 : i32 to index
      %parallel_loop3A_194 = arith.index_cast %parallel_loop3A_191 : i32 to index
      %parallel_loop3A_195 = tpu.vector_load %arg8[%parallel_loop3A_193, %parallel_loop3A_194] {strides = array<i32>} : memref<16x1024xf32, #tpu.memory_space<vmem>>, vector<16xf32>,
      tpu.vector_store %arg8[%parallel_loop3A_193, %parallel_loop3A_194], %parallel_loop3A_189 {strides = array<i32>} : memref<16x1024xf32, #tpu.memory_space<vmem>>, vector<16xf32>,
      %parallel_loop3A_196 = arith.constant 15 : i32
      %parallel_loop3A_197 = vector.broadcast %parallel_loop3A_196 : i32 to vector<16xi32>
      %parallel_loop3A_198 = tpu.vector_load_idx %arg6[%parallel_loop3A_168, %parallel_loop3A_197] : memref<1024x16xf32, #tpu.memory_space<vmem>>[vector<16xi32>, vector<16xi32>], vector<16xf32>,
      %parallel_loop3A_199 = arith.constant 16 : i32
      %parallel_loop3A_200 = arith.muli %parallel_loop3A_164, %parallel_loop3A_199 : i32
      %parallel_loop3A_201 = arith.constant 15 : i32
      %parallel_loop3A_202 = arith.index_cast %parallel_loop3A_201 : i32 to index
      %parallel_loop3A_203 = arith.index_cast %parallel_loop3A_200 : i32 to index
      %parallel_loop3A_204 = tpu.vector_load %arg8[%parallel_loop3A_202, %parallel_loop3A_203] {strides = array<i32>} : memref<16x1024xf32, #tpu.memory_space<vmem>>, vector<16xf32>,
      tpu.vector_store %arg8[%parallel_loop3A_202, %parallel_loop3A_203], %parallel_loop3A_198 {strides = array<i32>} : memref<16x1024xf32, #tpu.memory_space<vmem>>, vector<16xf32>,
    } {sc.loop_unroll_factor = 4 : i64, sc.parallel_access}
    %add3A_102 = arith.constant 12 : i32
    %add3A_103 = arith.addi %mul3A_34, %add3A_102 : i32
    %dma_start3A_104 = arith.constant 12 : i32
    %dma_start3A_105 = arith.constant 0 : i32
    %dma_start3A_106 = tpu.memref_slice %arg8[%dma_start3A_104, %dma_start3A_105] : memref<16x1024xf32, #tpu.memory_space<vmem>> -> memref<4x1024xf32, #tpu.memory_space<vmem>>
    %dma_start3A_107 = arith.constant 0 : i32
    %dma_start3A_108 = tpu.memref_slice %arg4[%add3A_18, %add3A_103, %dma_start3A_107] : memref<16x64x1024xf32, #tpu.memory_space<hbm>> -> memref<1x4x1024xf32, #tpu.memory_space<hbm>>
    %dma_start3A_109 = tpu.memref_squeeze %dma_start3A_108 : memref<1x4x1024xf32, #tpu.memory_space<hbm>> -> memref<4x1024xf32, #tpu.memory_space<hbm>>
    %dma_start3A_110 = arith.constant 0 : i32
    %dma_start3A_111 = tpu.memref_slice %arg4[%add3A_18, %add3A_103, %dma_start3A_110] : memref<16x64x1024xf32, #tpu.memory_space<hbm>> -> memref<1x4x1024xf32, #tpu.memory_space<hbm>>
    %dma_start3A_112 = tpu.memref_squeeze %dma_start3A_111 : memref<1x4x1024xf32, #tpu.memory_space<hbm>> -> memref<4x1024xf32, #tpu.memory_space<hbm>>
    %dma_start3A_113 = arith.constant 12 : i32
    %dma_start3A_114 = arith.constant 0 : i32
    %dma_start3A_115 = tpu.memref_slice %arg8[%dma_start3A_113, %dma_start3A_114] : memref<16x1024xf32, #tpu.memory_space<vmem>> -> memref<4x1024xf32, #tpu.memory_space<vmem>>
    tpu.enqueue_dma source(%dma_start3A_115 : memref<4x1024xf32, #tpu.memory_space<vmem>>) target(%dma_start3A_112 : memref<4x1024xf32, #tpu.memory_space<hbm>>) target_semaphore(%arg9 : memref<!tpu.dma_semaphore, #tpu.memory_space<semaphore_mem>>)
    %dma_wait3A_116 = arith.constant 0 : i32
    %dma_wait3A_117 = arith.constant 0 : i32
    %dma_wait3A_118 = tpu.memref_slice %arg8[%dma_wait3A_116, %dma_wait3A_117] : memref<16x1024xf32, #tpu.memory_space<vmem>> -> memref<4x1024xf32, #tpu.memory_space<vmem>>
    %dma_wait3A_119 = arith.constant 0 : i32
    %dma_wait3A_120 = tpu.memref_slice %arg4[%add3A_18, %add3A_52, %dma_wait3A_119] : memref<16x64x1024xf32, #tpu.memory_space<hbm>> -> memref<1x4x1024xf32, #tpu.memory_space<hbm>>
    %dma_wait3A_121 = tpu.memref_squeeze %dma_wait3A_120 : memref<1x4x1024xf32, #tpu.memory_space<hbm>> -> memref<4x1024xf32, #tpu.memory_space<hbm>>
    %dma_wait3A_122 = arith.constant 0 : i32
    %dma_wait3A_123 = tpu.memref_slice %arg4[%add3A_18, %add3A_52, %dma_wait3A_122] : memref<16x64x1024xf32, #tpu.memory_space<hbm>> -> memref<1x4x1024xf32, #tpu.memory_space<hbm>>
    %dma_wait3A_124 = tpu.memref_squeeze %dma_wait3A_123 : memref<1x4x1024xf32, #tpu.memory_space<hbm>> -> memref<4x1024xf32, #tpu.memory_space<hbm>>
    %dma_wait3A_125 = arith.constant 0 : i32
    %dma_wait3A_126 = arith.constant 0 : i32
    %dma_wait3A_127 = tpu.memref_slice %arg8[%dma_wait3A_125, %dma_wait3A_126] : memref<16x1024xf32, #tpu.memory_space<vmem>> -> memref<4x1024xf32, #tpu.memory_space<vmem>>
    tpu.wait_dma2 semaphore(%arg9 : memref<!tpu.dma_semaphore, #tpu.memory_space<semaphore_mem>>) src(%dma_wait3A_127 : memref<4x1024xf32, #tpu.memory_space<vmem>>) dst(%dma_wait3A_124 : memref<4x1024xf32, #tpu.memory_space<hbm>>)
    %dma_wait3A_128 = arith.constant 4 : i32
    %dma_wait3A_129 = arith.constant 0 : i32
    %dma_wait3A_130 = tpu.memref_slice %arg8[%dma_wait3A_128, %dma_wait3A_129] : memref<16x1024xf32, #tpu.memory_space<vmem>> -> memref<4x1024xf32, #tpu.memory_space<vmem>>
    %dma_wait3A_131 = arith.constant 0 : i32
    %dma_wait3A_132 = tpu.memref_slice %arg4[%add3A_18, %add3A_69, %dma_wait3A_131] : memref<16x64x1024xf32, #tpu.memory_space<hbm>> -> memref<1x4x1024xf32, #tpu.memory_space<hbm>>
    %dma_wait3A_133 = tpu.memref_squeeze %dma_wait3A_132 : memref<1x4x1024xf32, #tpu.memory_space<hbm>> -> memref<4x1024xf32, #tpu.memory_space<hbm>>
    %dma_wait3A_134 = arith.constant 0 : i32
    %dma_wait3A_135 = tpu.memref_slice %arg4[%add3A_18, %add3A_69, %dma_wait3A_134] : memref<16x64x1024xf32, #tpu.memory_space<hbm>> -> memref<1x4x1024xf32, #tpu.memory_space<hbm>>
    %dma_wait3A_136 = tpu.memref_squeeze %dma_wait3A_135 : memref<1x4x1024xf32, #tpu.memory_space<hbm>> -> memref<4x1024xf32, #tpu.memory_space<hbm>>
    %dma_wait3A_137 = arith.constant 4 : i32
    %dma_wait3A_138 = arith.constant 0 : i32
    %dma_wait3A_139 = tpu.memref_slice %arg8[%dma_wait3A_137, %dma_wait3A_138] : memref<16x1024xf32, #tpu.memory_space<vmem>> -> memref<4x1024xf32, #tpu.memory_space<vmem>>
    tpu.wait_dma2 semaphore(%arg9 : memref<!tpu.dma_semaphore, #tpu.memory_space<semaphore_mem>>) src(%dma_wait3A_139 : memref<4x1024xf32, #tpu.memory_space<vmem>>) dst(%dma_wait3A_136 : memref<4x1024xf32, #tpu.memory_space<hbm>>)
    %dma_wait3A_140 = arith.constant 8 : i32
    %dma_wait3A_141 = arith.constant 0 : i32
    %dma_wait3A_142 = tpu.memref_slice %arg8[%dma_wait3A_140, %dma_wait3A_141] : memref<16x1024xf32, #tpu.memory_space<vmem>> -> memref<4x1024xf32, #tpu.memory_space<vmem>>
    %dma_wait3A_143 = arith.constant 0 : i32
    %dma_wait3A_144 = tpu.memref_slice %arg4[%add3A_18, %add3A_86, %dma_wait3A_143] : memref<16x64x1024xf32, #tpu.memory_space<hbm>> -> memref<1x4x1024xf32, #tpu.memory_space<hbm>>
    %dma_wait3A_145 = tpu.memref_squeeze %dma_wait3A_144 : memref<1x4x1024xf32, #tpu.memory_space<hbm>> -> memref<4x1024xf32, #tpu.memory_space<hbm>>
    %dma_wait3A_146 = arith.constant 0 : i32
    %dma_wait3A_147 = tpu.memref_slice %arg4[%add3A_18, %add3A_86, %dma_wait3A_146] : memref<16x64x1024xf32, #tpu.memory_space<hbm>> -> memref<1x4x1024xf32, #tpu.memory_space<hbm>>
    %dma_wait3A_148 = tpu.memref_squeeze %dma_wait3A_147 : memref<1x4x1024xf32, #tpu.memory_space<hbm>> -> memref<4x1024xf32, #tpu.memory_space<hbm>>
    %dma_wait3A_149 = arith.constant 8 : i32
    %dma_wait3A_150 = arith.constant 0 : i32
    %dma_wait3A_151 = tpu.memref_slice %arg8[%dma_wait3A_149, %dma_wait3A_150] : memref<16x1024xf32, #tpu.memory_space<vmem>> -> memref<4x1024xf32, #tpu.memory_space<vmem>>
    tpu.wait_dma2 semaphore(%arg9 : memref<!tpu.dma_semaphore, #tpu.memory_space<semaphore_mem>>) src(%dma_wait3A_151 : memref<4x1024xf32, #tpu.memory_space<vmem>>) dst(%dma_wait3A_148 : memref<4x1024xf32, #tpu.memory_space<hbm>>)
    %dma_wait3A_152 = arith.constant 12 : i32
    %dma_wait3A_153 = arith.constant 0 : i32
    %dma_wait3A_154 = tpu.memref_slice %arg8[%dma_wait3A_152, %dma_wait3A_153] : memref<16x1024xf32, #tpu.memory_space<vmem>> -> memref<4x1024xf32, #tpu.memory_space<vmem>>
    %dma_wait3A_155 = arith.constant 0 : i32
    %dma_wait3A_156 = tpu.memref_slice %arg4[%add3A_18, %add3A_103, %dma_wait3A_155] : memref<16x64x1024xf32, #tpu.memory_space<hbm>> -> memref<1x4x1024xf32, #tpu.memory_space<hbm>>
    %dma_wait3A_157 = tpu.memref_squeeze %dma_wait3A_156 : memref<1x4x1024xf32, #tpu.memory_space<hbm>> -> memref<4x1024xf32, #tpu.memory_space<hbm>>
    %dma_wait3A_158 = arith.constant 0 : i32
    %dma_wait3A_159 = tpu.memref_slice %arg4[%add3A_18, %add3A_103, %dma_wait3A_158] : memref<16x64x1024xf32, #tpu.memory_space<hbm>> -> memref<1x4x1024xf32, #tpu.memory_space<hbm>>
    %dma_wait3A_160 = tpu.memref_squeeze %dma_wait3A_159 : memref<1x4x1024xf32, #tpu.memory_space<hbm>> -> memref<4x1024xf32, #tpu.memory_space<hbm>>
    %dma_wait3A_161 = arith.constant 12 : i32
    %dma_wait3A_162 = arith.constant 0 : i32
    %dma_wait3A_163 = tpu.memref_slice %arg8[%dma_wait3A_161, %dma_wait3A_162] : memref<16x1024xf32, #tpu.memory_space<vmem>> -> memref<4x1024xf32, #tpu.memory_space<vmem>>
    tpu.wait_dma2 semaphore(%arg9 : memref<!tpu.dma_semaphore, #tpu.memory_space<semaphore_mem>>) src(%dma_wait3A_163 : memref<4x1024xf32, #tpu.memory_space<vmem>>) dst(%dma_wait3A_160 : memref<4x1024xf32, #tpu.memory_space<hbm>>)
    return
  }
}

#map = affine_map<(d0, d1) -> (0, 0)>
#map1 = affine_map<(d0, d1) -> (0)>
#map2 = affine_map<(d0, d1) -> (0, 0, 0)>
module attributes {stable_mosaic.version = 14 : i64} {
  func.func @new_body(%arg0: i32, %arg1: i32, %arg2: memref<1024x64xf32, #tpu.memory_space<hbm>>, %arg3: memref<8192xi32, #tpu.memory_space<hbm>>, %arg4: memref<16x64x1024xf32, #tpu.memory_space<hbm>>, %arg5: memref<16x64x1024xf32, #tpu.memory_space<hbm>>, %arg6: memref<1024x16xf32, #tpu.memory_space<vmem>>, %arg7: memref<1024xi32, #tpu.memory_space<vmem>>, %arg8: memref<16x1024xf32, #tpu.memory_space<vmem>>, %arg9: memref<!tpu.dma_semaphore, #tpu.memory_space<semaphore_mem>>) attributes {dimension_semantics = [#tpu.dimension_semantics<core_parallel>, #tpu.dimension_semantics<subcore_parallel>], iteration_bounds = array<i64: 2, 16>, scalar_prefetch = 0 : i64, scratch_operands = 4 : i64, tpu.core_type = #tpu.core_type<sc_vector_subcore>, window_params = [{transform_indices = #map}, {transform_indices = #map1}, {transform_indices = #map2}, {transform_indices = #map2}]} {
    %mul3A = arith.constant 2 : i32
    %mul3A_0 = arith.muli %arg1, %mul3A : i32
    %add3A = arith.addi %mul3A_0, %arg0 : i32
    %jit3A = arith.constant 4 : i32
    %div3A = arith.divsi %add3A, %jit3A : i32
    %sign3A = arith.constant 0 : i32
    %sign3A_1 = arith.cmpi sgt, %add3A, %sign3A : i32
    %sign3A_2 = arith.extui %sign3A_1 : i1 to i32
    %sign3A_3 = arith.constant 0 : i32
    %sign3A_4 = arith.cmpi slt, %add3A, %sign3A_3 : i32
    %sign3A_5 = arith.extui %sign3A_4 : i1 to i32
    %sign3A_6 = arith.subi %sign3A_2, %sign3A_5 : i32
    %sign3A_7 = arith.constant 0 : i32
    %sign3A_8 = arith.cmpi sgt, %jit3A, %sign3A_7 : i32
    %sign3A_9 = arith.extui %sign3A_8 : i1 to i32
    %sign3A_10 = arith.constant 0 : i32
    %sign3A_11 = arith.cmpi slt, %jit3A, %sign3A_10 : i32
    %sign3A_12 = arith.extui %sign3A_11 : i1 to i32
    %sign3A_13 = arith.subi %sign3A_9, %sign3A_12 : i32
    %ne3A = arith.cmpi ne, %sign3A_6, %sign3A_13 : i32
    %rem3A = arith.remsi %add3A, %jit3A : i32
    %ne3A_14 = arith.constant 0 : i32
    %ne3A_15 = arith.cmpi ne, %rem3A, %ne3A_14 : i32
    %and3A = arith.andi %ne3A, %ne3A_15 : i1
    %sub3A = arith.constant 1 : i32
    %sub3A_16 = arith.subi %div3A, %sub3A : i32
    %select_n3A = arith.select %and3A, %sub3A_16, %div3A : i32
    %add3A_17 = arith.constant 8 : i32
    %add3A_18 = arith.addi %select_n3A, %add3A_17 : i32
    %jit3A_19 = arith.constant 4 : i32
    %eq3A = arith.constant 0 : i32
    %eq3A_20 = arith.cmpi eq, %jit3A_19, %eq3A : i32
    %jit3A_21 = arith.constant 1 : i32
    %select_n3A_22 = arith.select %eq3A_20, %jit3A_21, %jit3A_19 : i32
    %rem3A_23 = arith.remsi %add3A, %select_n3A_22 : i32
    %ne3A_24 = arith.constant 0 : i32
    %ne3A_25 = arith.cmpi ne, %rem3A_23, %ne3A_24 : i32
    %lt3A = arith.constant 0 : i32
    %lt3A_26 = arith.cmpi slt, %rem3A_23, %lt3A : i32
    %lt3A_27 = arith.constant 0 : i32
    %lt3A_28 = arith.cmpi slt, %select_n3A_22, %lt3A_27 : i32
    %ne3A_29 = arith.xori %lt3A_26, %lt3A_28 : i1
    %and3A_30 = arith.andi %ne3A_29, %ne3A_25 : i1
    %add3A_31 = arith.addi %rem3A_23, %select_n3A_22 : i32
    %select_n3A_32 = arith.select %and3A_30, %add3A_31, %rem3A_23 : i32
    %mul3A_33 = arith.constant 16 : i32
    %mul3A_34 = arith.muli %select_n3A_32, %mul3A_33 : i32
    %dma_start3A = arith.constant 0 : i32
    %dma_start3A_35 = tpu.memref_slice %arg2[%dma_start3A, %mul3A_34] : memref<1024x64xf32, #tpu.memory_space<hbm>> -> memref<1024x16xf32, #tpu.memory_space<hbm>>
    %dma_start3A_36 = arith.constant 0 : i32
    %dma_start3A_37 = tpu.memref_slice %arg2[%dma_start3A_36, %mul3A_34] : memref<1024x64xf32, #tpu.memory_space<hbm>> -> memref<1024x16xf32, #tpu.memory_space<hbm>>
    tpu.enqueue_dma source(%dma_start3A_37 : memref<1024x16xf32, #tpu.memory_space<hbm>>) target(%arg6 : memref<1024x16xf32, #tpu.memory_space<vmem>>) target_semaphore(%arg9 : memref<!tpu.dma_semaphore, #tpu.memory_space<semaphore_mem>>)
    %sub3A_38 = arith.constant 8 : i32
    %sub3A_39 = arith.subi %add3A_18, %sub3A_38 : i32
    %mul3A_40 = arith.constant 1024 : i32
    %mul3A_41 = arith.muli %sub3A_39, %mul3A_40 : i32
    %dma_start3A_42 = tpu.memref_slice %arg3[%mul3A_41] : memref<8192xi32, #tpu.memory_space<hbm>> -> memref<1024xi32, #tpu.memory_space<hbm>>
    %dma_start3A_43 = tpu.memref_slice %arg3[%mul3A_41] : memref<8192xi32, #tpu.memory_space<hbm>> -> memref<1024xi32, #tpu.memory_space<hbm>>
    tpu.enqueue_dma source(%dma_start3A_43 : memref<1024xi32, #tpu.memory_space<hbm>>) target(%arg7 : memref<1024xi32, #tpu.memory_space<vmem>>) target_semaphore(%arg9 : memref<!tpu.dma_semaphore, #tpu.memory_space<semaphore_mem>>)
    %dma_wait3A = arith.constant 0 : i32
    %dma_wait3A_44 = tpu.memref_slice %arg2[%dma_wait3A, %mul3A_34] : memref<1024x64xf32, #tpu.memory_space<hbm>> -> memref<1024x16xf32, #tpu.memory_space<hbm>>
    %dma_wait3A_45 = arith.constant 0 : i32
    %dma_wait3A_46 = tpu.memref_slice %arg2[%dma_wait3A_45, %mul3A_34] : memref<1024x64xf32, #tpu.memory_space<hbm>> -> memref<1024x16xf32, #tpu.memory_space<hbm>>
    tpu.wait_dma2 semaphore(%arg9 : memref<!tpu.dma_semaphore, #tpu.memory_space<semaphore_mem>>) src(%dma_wait3A_46 : memref<1024x16xf32, #tpu.memory_space<hbm>>) dst(%arg6 : memref<1024x16xf32, #tpu.memory_space<vmem>>)
    %dma_wait3A_47 = tpu.memref_slice %arg3[%mul3A_41] : memref<8192xi32, #tpu.memory_space<hbm>> -> memref<1024xi32, #tpu.memory_space<hbm>>
    %dma_wait3A_48 = tpu.memref_slice %arg3[%mul3A_41] : memref<8192xi32, #tpu.memory_space<hbm>> -> memref<1024xi32, #tpu.memory_space<hbm>>
    tpu.wait_dma2 semaphore(%arg9 : memref<!tpu.dma_semaphore, #tpu.memory_space<semaphore_mem>>) src(%dma_wait3A_48 : memref<1024xi32, #tpu.memory_space<hbm>>) dst(%arg7 : memref<1024xi32, #tpu.memory_space<vmem>>)
    %parallel_loop3A = arith.constant 0 : i32
    %parallel_loop3A_49 = arith.constant 64 : i32
    %parallel_loop3A_50 = arith.constant 1 : i32
    scf.for %parallel_loop3A_164 = %parallel_loop3A to %parallel_loop3A_49 step %parallel_loop3A_50  : i32 {
      %parallel_loop3A_165 = arith.constant 16 : i32
      %parallel_loop3A_166 = arith.muli %parallel_loop3A_164, %parallel_loop3A_165 : i32
      %parallel_loop3A_167 = arith.index_cast %parallel_loop3A_166 : i32 to index
      %parallel_loop3A_168 = tpu.vector_load %arg7[%parallel_loop3A_167] {strides = array<i32>} : memref<1024xi32, #tpu.memory_space<vmem>>, vector<16xi32>,
      %parallel_loop3A_169 = arith.constant 0 : i32
      %parallel_loop3A_170 = vector.broadcast %parallel_loop3A_169 : i32 to vector<16xi32>
      %parallel_loop3A_171 = tpu.vector_load_idx %arg6[%parallel_loop3A_168, %parallel_loop3A_170] : memref<1024x16xf32, #tpu.memory_space<vmem>>[vector<16xi32>, vector<16xi32>], vector<16xf32>,
      %parallel_loop3A_172 = arith.constant 16 : i32
      %parallel_loop3A_173 = arith.muli %parallel_loop3A_164, %parallel_loop3A_172 : i32
      %parallel_loop3A_174 = arith.constant 0 : i32
      %parallel_loop3A_175 = arith.index_cast %parallel_loop3A_174 : i32 to index
      %parallel_loop3A_176 = arith.index_cast %parallel_loop3A_173 : i32 to index
      %parallel_loop3A_177 = tpu.vector_load %arg8[%parallel_loop3A_175, %parallel_loop3A_176] {strides = array<i32>} : memref<16x1024xf32, #tpu.memory_space<vmem>>, vector<16xf32>,
      tpu.vector_store %arg8[%parallel_loop3A_175, %parallel_loop3A_176], %parallel_loop3A_171 {strides = array<i32>} : memref<16x1024xf32, #tpu.memory_space<vmem>>, vector<16xf32>,
      %parallel_loop3A_178 = arith.constant 1 : i32
      %parallel_loop3A_179 = vector.broadcast %parallel_loop3A_178 : i32 to vector<16xi32>
      %parallel_loop3A_180 = tpu.vector_load_idx %arg6[%parallel_loop3A_168, %parallel_loop3A_179] : memref<1024x16xf32, #tpu.memory_space<vmem>>[vector<16xi32>, vector<16xi32>], vector<16xf32>,
      %parallel_loop3A_181 = arith.constant 16 : i32
      %parallel_loop3A_182 = arith.muli %parallel_loop3A_164, %parallel_loop3A_181 : i32
      %parallel_loop3A_183 = arith.constant 1 : i32
      %parallel_loop3A_184 = arith.index_cast %parallel_loop3A_183 : i32 to index
      %parallel_loop3A_185 = arith.index_cast %parallel_loop3A_182 : i32 to index
      %parallel_loop3A_186 = tpu.vector_load %arg8[%parallel_loop3A_184, %parallel_loop3A_185] {strides = array<i32>} : memref<16x1024xf32, #tpu.memory_space<vmem>>, vector<16xf32>,
      tpu.vector_store %arg8[%parallel_loop3A_184, %parallel_loop3A_185], %parallel_loop3A_180 {strides = array<i32>} : memref<16x1024xf32, #tpu.memory_space<vmem>>, vector<16xf32>,
      %parallel_loop3A_187 = arith.constant 2 : i32
      %parallel_loop3A_188 = vector.broadcast %parallel_loop3A_187 : i32 to vector<16xi32>
      %parallel_loop3A_189 = tpu.vector_load_idx %arg6[%parallel_loop3A_168, %parallel_loop3A_188] : memref<1024x16xf32, #tpu.memory_space<vmem>>[vector<16xi32>, vector<16xi32>], vector<16xf32>,
      %parallel_loop3A_190 = arith.constant 16 : i32
      %parallel_loop3A_191 = arith.muli %parallel_loop3A_164, %parallel_loop3A_190 : i32
      %parallel_loop3A_192 = arith.constant 2 : i32
      %parallel_loop3A_193 = arith.index_cast %parallel_loop3A_192 : i32 to index
      %parallel_loop3A_194 = arith.index_cast %parallel_loop3A_191 : i32 to index
      %parallel_loop3A_195 = tpu.vector_load %arg8[%parallel_loop3A_193, %parallel_loop3A_194] {strides = array<i32>} : memref<16x1024xf32, #tpu.memory_space<vmem>>, vector<16xf32>,
      tpu.vector_store %arg8[%parallel_loop3A_193, %parallel_loop3A_194], %parallel_loop3A_189 {strides = array<i32>} : memref<16x1024xf32, #tpu.memory_space<vmem>>, vector<16xf32>,
      %parallel_loop3A_196 = arith.constant 3 : i32
      %parallel_loop3A_197 = vector.broadcast %parallel_loop3A_196 : i32 to vector<16xi32>
      %parallel_loop3A_198 = tpu.vector_load_idx %arg6[%parallel_loop3A_168, %parallel_loop3A_197] : memref<1024x16xf32, #tpu.memory_space<vmem>>[vector<16xi32>, vector<16xi32>], vector<16xf32>,
      %parallel_loop3A_199 = arith.constant 16 : i32
      %parallel_loop3A_200 = arith.muli %parallel_loop3A_164, %parallel_loop3A_199 : i32
      %parallel_loop3A_201 = arith.constant 3 : i32
      %parallel_loop3A_202 = arith.index_cast %parallel_loop3A_201 : i32 to index
      %parallel_loop3A_203 = arith.index_cast %parallel_loop3A_200 : i32 to index
      %parallel_loop3A_204 = tpu.vector_load %arg8[%parallel_loop3A_202, %parallel_loop3A_203] {strides = array<i32>} : memref<16x1024xf32, #tpu.memory_space<vmem>>, vector<16xf32>,
      tpu.vector_store %arg8[%parallel_loop3A_202, %parallel_loop3A_203], %parallel_loop3A_198 {strides = array<i32>} : memref<16x1024xf32, #tpu.memory_space<vmem>>, vector<16xf32>,
    } {sc.loop_unroll_factor = 4 : i64, sc.parallel_access}
    %add3A_51 = arith.constant 0 : i32
    %add3A_52 = arith.addi %mul3A_34, %add3A_51 : i32
    %dma_start3A_53 = arith.constant 0 : i32
    %dma_start3A_54 = arith.constant 0 : i32
    %dma_start3A_55 = tpu.memref_slice %arg8[%dma_start3A_53, %dma_start3A_54] : memref<16x1024xf32, #tpu.memory_space<vmem>> -> memref<4x1024xf32, #tpu.memory_space<vmem>>
    %dma_start3A_56 = arith.constant 0 : i32
    %dma_start3A_57 = tpu.memref_slice %arg4[%add3A_18, %add3A_52, %dma_start3A_56] : memref<16x64x1024xf32, #tpu.memory_space<hbm>> -> memref<1x4x1024xf32, #tpu.memory_space<hbm>>
    %dma_start3A_58 = tpu.memref_squeeze %dma_start3A_57 : memref<1x4x1024xf32, #tpu.memory_space<hbm>> -> memref<4x1024xf32, #tpu.memory_space<hbm>>
    %dma_start3A_59 = arith.constant 0 : i32
    %dma_start3A_60 = tpu.memref_slice %arg4[%add3A_18, %add3A_52, %dma_start3A_59] : memref<16x64x1024xf32, #tpu.memory_space<hbm>> -> memref<1x4x1024xf32, #tpu.memory_space<hbm>>
    %dma_start3A_61 = tpu.memref_squeeze %dma_start3A_60 : memref<1x4x1024xf32, #tpu.memory_space<hbm>> -> memref<4x1024xf32, #tpu.memory_space<hbm>>
    %dma_start3A_62 = arith.constant 0 : i32
    %dma_start3A_63 = arith.constant 0 : i32
    %dma_start3A_64 = tpu.memref_slice %arg8[%dma_start3A_62, %dma_start3A_63] : memref<16x1024xf32, #tpu.memory_space<vmem>> -> memref<4x1024xf32, #tpu.memory_space<vmem>>
    tpu.enqueue_dma source(%dma_start3A_64 : memref<4x1024xf32, #tpu.memory_space<vmem>>) target(%dma_start3A_61 : memref<4x1024xf32, #tpu.memory_space<hbm>>) target_semaphore(%arg9 : memref<!tpu.dma_semaphore, #tpu.memory_space<semaphore_mem>>)
    %parallel_loop3A_65 = arith.constant 0 : i32
    %parallel_loop3A_66 = arith.constant 64 : i32
    %parallel_loop3A_67 = arith.constant 1 : i32
    scf.for %parallel_loop3A_164 = %parallel_loop3A_65 to %parallel_loop3A_66 step %parallel_loop3A_67  : i32 {
      %parallel_loop3A_165 = arith.constant 16 : i32
      %parallel_loop3A_166 = arith.muli %parallel_loop3A_164, %parallel_loop3A_165 : i32
      %parallel_loop3A_167 = arith.index_cast %parallel_loop3A_166 : i32 to index
      %parallel_loop3A_168 = tpu.vector_load %arg7[%parallel_loop3A_167] {strides = array<i32>} : memref<1024xi32, #tpu.memory_space<vmem>>, vector<16xi32>,
      %parallel_loop3A_169 = arith.constant 4 : i32
      %parallel_loop3A_170 = vector.broadcast %parallel_loop3A_169 : i32 to vector<16xi32>
      %parallel_loop3A_171 = tpu.vector_load_idx %arg6[%parallel_loop3A_168, %parallel_loop3A_170] : memref<1024x16xf32, #tpu.memory_space<vmem>>[vector<16xi32>, vector<16xi32>], vector<16xf32>,
      %parallel_loop3A_172 = arith.constant 16 : i32
      %parallel_loop3A_173 = arith.muli %parallel_loop3A_164, %parallel_loop3A_172 : i32
      %parallel_loop3A_174 = arith.constant 4 : i32
      %parallel_loop3A_175 = arith.index_cast %parallel_loop3A_174 : i32 to index
      %parallel_loop3A_176 = arith.index_cast %parallel_loop3A_173 : i32 to index
      %parallel_loop3A_177 = tpu.vector_load %arg8[%parallel_loop3A_175, %parallel_loop3A_176] {strides = array<i32>} : memref<16x1024xf32, #tpu.memory_space<vmem>>, vector<16xf32>,
      tpu.vector_store %arg8[%parallel_loop3A_175, %parallel_loop3A_176], %parallel_loop3A_171 {strides = array<i32>} : memref<16x1024xf32, #tpu.memory_space<vmem>>, vector<16xf32>,
      %parallel_loop3A_178 = arith.constant 5 : i32
      %parallel_loop3A_179 = vector.broadcast %parallel_loop3A_178 : i32 to vector<16xi32>
      %parallel_loop3A_180 = tpu.vector_load_idx %arg6[%parallel_loop3A_168, %parallel_loop3A_179] : memref<1024x16xf32, #tpu.memory_space<vmem>>[vector<16xi32>, vector<16xi32>], vector<16xf32>,
      %parallel_loop3A_181 = arith.constant 16 : i32
      %parallel_loop3A_182 = arith.muli %parallel_loop3A_164, %parallel_loop3A_181 : i32
      %parallel_loop3A_183 = arith.constant 5 : i32
      %parallel_loop3A_184 = arith.index_cast %parallel_loop3A_183 : i32 to index
      %parallel_loop3A_185 = arith.index_cast %parallel_loop3A_182 : i32 to index
      %parallel_loop3A_186 = tpu.vector_load %arg8[%parallel_loop3A_184, %parallel_loop3A_185] {strides = array<i32>} : memref<16x1024xf32, #tpu.memory_space<vmem>>, vector<16xf32>,
      tpu.vector_store %arg8[%parallel_loop3A_184, %parallel_loop3A_185], %parallel_loop3A_180 {strides = array<i32>} : memref<16x1024xf32, #tpu.memory_space<vmem>>, vector<16xf32>,
      %parallel_loop3A_187 = arith.constant 6 : i32
      %parallel_loop3A_188 = vector.broadcast %parallel_loop3A_187 : i32 to vector<16xi32>
      %parallel_loop3A_189 = tpu.vector_load_idx %arg6[%parallel_loop3A_168, %parallel_loop3A_188] : memref<1024x16xf32, #tpu.memory_space<vmem>>[vector<16xi32>, vector<16xi32>], vector<16xf32>,
      %parallel_loop3A_190 = arith.constant 16 : i32
      %parallel_loop3A_191 = arith.muli %parallel_loop3A_164, %parallel_loop3A_190 : i32
      %parallel_loop3A_192 = arith.constant 6 : i32
      %parallel_loop3A_193 = arith.index_cast %parallel_loop3A_192 : i32 to index
      %parallel_loop3A_194 = arith.index_cast %parallel_loop3A_191 : i32 to index
      %parallel_loop3A_195 = tpu.vector_load %arg8[%parallel_loop3A_193, %parallel_loop3A_194] {strides = array<i32>} : memref<16x1024xf32, #tpu.memory_space<vmem>>, vector<16xf32>,
      tpu.vector_store %arg8[%parallel_loop3A_193, %parallel_loop3A_194], %parallel_loop3A_189 {strides = array<i32>} : memref<16x1024xf32, #tpu.memory_space<vmem>>, vector<16xf32>,
      %parallel_loop3A_196 = arith.constant 7 : i32
      %parallel_loop3A_197 = vector.broadcast %parallel_loop3A_196 : i32 to vector<16xi32>
      %parallel_loop3A_198 = tpu.vector_load_idx %arg6[%parallel_loop3A_168, %parallel_loop3A_197] : memref<1024x16xf32, #tpu.memory_space<vmem>>[vector<16xi32>, vector<16xi32>], vector<16xf32>,
      %parallel_loop3A_199 = arith.constant 16 : i32
      %parallel_loop3A_200 = arith.muli %parallel_loop3A_164, %parallel_loop3A_199 : i32
      %parallel_loop3A_201 = arith.constant 7 : i32
      %parallel_loop3A_202 = arith.index_cast %parallel_loop3A_201 : i32 to index
      %parallel_loop3A_203 = arith.index_cast %parallel_loop3A_200 : i32 to index
      %parallel_loop3A_204 = tpu.vector_load %arg8[%parallel_loop3A_202, %parallel_loop3A_203] {strides = array<i32>} : memref<16x1024xf32, #tpu.memory_space<vmem>>, vector<16xf32>,
      tpu.vector_store %arg8[%parallel_loop3A_202, %parallel_loop3A_203], %parallel_loop3A_198 {strides = array<i32>} : memref<16x1024xf32, #tpu.memory_space<vmem>>, vector<16xf32>,
    } {sc.loop_unroll_factor = 4 : i64, sc.parallel_access}
    %add3A_68 = arith.constant 4 : i32
    %add3A_69 = arith.addi %mul3A_34, %add3A_68 : i32
    %dma_start3A_70 = arith.constant 4 : i32
    %dma_start3A_71 = arith.constant 0 : i32
    %dma_start3A_72 = tpu.memref_slice %arg8[%dma_start3A_70, %dma_start3A_71] : memref<16x1024xf32, #tpu.memory_space<vmem>> -> memref<4x1024xf32, #tpu.memory_space<vmem>>
    %dma_start3A_73 = arith.constant 0 : i32
    %dma_start3A_74 = tpu.memref_slice %arg4[%add3A_18, %add3A_69, %dma_start3A_73] : memref<16x64x1024xf32, #tpu.memory_space<hbm>> -> memref<1x4x1024xf32, #tpu.memory_space<hbm>>
    %dma_start3A_75 = tpu.memref_squeeze %dma_start3A_74 : memref<1x4x1024xf32, #tpu.memory_space<hbm>> -> memref<4x1024xf32, #tpu.memory_space<hbm>>
    %dma_start3A_76 = arith.constant 0 : i32
    %dma_start3A_77 = tpu.memref_slice %arg4[%add3A_18, %add3A_69, %dma_start3A_76] : memref<16x64x1024xf32, #tpu.memory_space<hbm>> -> memref<1x4x1024xf32, #tpu.memory_space<hbm>>
    %dma_start3A_78 = tpu.memref_squeeze %dma_start3A_77 : memref<1x4x1024xf32, #tpu.memory_space<hbm>> -> memref<4x1024xf32, #tpu.memory_space<hbm>>
    %dma_start3A_79 = arith.constant 4 : i32
    %dma_start3A_80 = arith.constant 0 : i32
    %dma_start3A_81 = tpu.memref_slice %arg8[%dma_start3A_79, %dma_start3A_80] : memref<16x1024xf32, #tpu.memory_space<vmem>> -> memref<4x1024xf32, #tpu.memory_space<vmem>>
    tpu.enqueue_dma source(%dma_start3A_81 : memref<4x1024xf32, #tpu.memory_space<vmem>>) target(%dma_start3A_78 : memref<4x1024xf32, #tpu.memory_space<hbm>>) target_semaphore(%arg9 : memref<!tpu.dma_semaphore, #tpu.memory_space<semaphore_mem>>)
    %parallel_loop3A_82 = arith.constant 0 : i32
    %parallel_loop3A_83 = arith.constant 64 : i32
    %parallel_loop3A_84 = arith.constant 1 : i32
    scf.for %parallel_loop3A_164 = %parallel_loop3A_82 to %parallel_loop3A_83 step %parallel_loop3A_84  : i32 {
      %parallel_loop3A_165 = arith.constant 16 : i32
      %parallel_loop3A_166 = arith.muli %parallel_loop3A_164, %parallel_loop3A_165 : i32
      %parallel_loop3A_167 = arith.index_cast %parallel_loop3A_166 : i32 to index
      %parallel_loop3A_168 = tpu.vector_load %arg7[%parallel_loop3A_167] {strides = array<i32>} : memref<1024xi32, #tpu.memory_space<vmem>>, vector<16xi32>,
      %parallel_loop3A_169 = arith.constant 8 : i32
      %parallel_loop3A_170 = vector.broadcast %parallel_loop3A_169 : i32 to vector<16xi32>
      %parallel_loop3A_171 = tpu.vector_load_idx %arg6[%parallel_loop3A_168, %parallel_loop3A_170] : memref<1024x16xf32, #tpu.memory_space<vmem>>[vector<16xi32>, vector<16xi32>], vector<16xf32>,
      %parallel_loop3A_172 = arith.constant 16 : i32
      %parallel_loop3A_173 = arith.muli %parallel_loop3A_164, %parallel_loop3A_172 : i32
      %parallel_loop3A_174 = arith.constant 8 : i32
      %parallel_loop3A_175 = arith.index_cast %parallel_loop3A_174 : i32 to index
      %parallel_loop3A_176 = arith.index_cast %parallel_loop3A_173 : i32 to index
      %parallel_loop3A_177 = tpu.vector_load %arg8[%parallel_loop3A_175, %parallel_loop3A_176] {strides = array<i32>} : memref<16x1024xf32, #tpu.memory_space<vmem>>, vector<16xf32>,
      tpu.vector_store %arg8[%parallel_loop3A_175, %parallel_loop3A_176], %parallel_loop3A_171 {strides = array<i32>} : memref<16x1024xf32, #tpu.memory_space<vmem>>, vector<16xf32>,
      %parallel_loop3A_178 = arith.constant 9 : i32
      %parallel_loop3A_179 = vector.broadcast %parallel_loop3A_178 : i32 to vector<16xi32>
      %parallel_loop3A_180 = tpu.vector_load_idx %arg6[%parallel_loop3A_168, %parallel_loop3A_179] : memref<1024x16xf32, #tpu.memory_space<vmem>>[vector<16xi32>, vector<16xi32>], vector<16xf32>,
      %parallel_loop3A_181 = arith.constant 16 : i32
      %parallel_loop3A_182 = arith.muli %parallel_loop3A_164, %parallel_loop3A_181 : i32
      %parallel_loop3A_183 = arith.constant 9 : i32
      %parallel_loop3A_184 = arith.index_cast %parallel_loop3A_183 : i32 to index
      %parallel_loop3A_185 = arith.index_cast %parallel_loop3A_182 : i32 to index
      %parallel_loop3A_186 = tpu.vector_load %arg8[%parallel_loop3A_184, %parallel_loop3A_185] {strides = array<i32>} : memref<16x1024xf32, #tpu.memory_space<vmem>>, vector<16xf32>,
      tpu.vector_store %arg8[%parallel_loop3A_184, %parallel_loop3A_185], %parallel_loop3A_180 {strides = array<i32>} : memref<16x1024xf32, #tpu.memory_space<vmem>>, vector<16xf32>,
      %parallel_loop3A_187 = arith.constant 10 : i32
      %parallel_loop3A_188 = vector.broadcast %parallel_loop3A_187 : i32 to vector<16xi32>
      %parallel_loop3A_189 = tpu.vector_load_idx %arg6[%parallel_loop3A_168, %parallel_loop3A_188] : memref<1024x16xf32, #tpu.memory_space<vmem>>[vector<16xi32>, vector<16xi32>], vector<16xf32>,
      %parallel_loop3A_190 = arith.constant 16 : i32
      %parallel_loop3A_191 = arith.muli %parallel_loop3A_164, %parallel_loop3A_190 : i32
      %parallel_loop3A_192 = arith.constant 10 : i32
      %parallel_loop3A_193 = arith.index_cast %parallel_loop3A_192 : i32 to index
      %parallel_loop3A_194 = arith.index_cast %parallel_loop3A_191 : i32 to index
      %parallel_loop3A_195 = tpu.vector_load %arg8[%parallel_loop3A_193, %parallel_loop3A_194] {strides = array<i32>} : memref<16x1024xf32, #tpu.memory_space<vmem>>, vector<16xf32>,
      tpu.vector_store %arg8[%parallel_loop3A_193, %parallel_loop3A_194], %parallel_loop3A_189 {strides = array<i32>} : memref<16x1024xf32, #tpu.memory_space<vmem>>, vector<16xf32>,
      %parallel_loop3A_196 = arith.constant 11 : i32
      %parallel_loop3A_197 = vector.broadcast %parallel_loop3A_196 : i32 to vector<16xi32>
      %parallel_loop3A_198 = tpu.vector_load_idx %arg6[%parallel_loop3A_168, %parallel_loop3A_197] : memref<1024x16xf32, #tpu.memory_space<vmem>>[vector<16xi32>, vector<16xi32>], vector<16xf32>,
      %parallel_loop3A_199 = arith.constant 16 : i32
      %parallel_loop3A_200 = arith.muli %parallel_loop3A_164, %parallel_loop3A_199 : i32
      %parallel_loop3A_201 = arith.constant 11 : i32
      %parallel_loop3A_202 = arith.index_cast %parallel_loop3A_201 : i32 to index
      %parallel_loop3A_203 = arith.index_cast %parallel_loop3A_200 : i32 to index
      %parallel_loop3A_204 = tpu.vector_load %arg8[%parallel_loop3A_202, %parallel_loop3A_203] {strides = array<i32>} : memref<16x1024xf32, #tpu.memory_space<vmem>>, vector<16xf32>,
      tpu.vector_store %arg8[%parallel_loop3A_202, %parallel_loop3A_203], %parallel_loop3A_198 {strides = array<i32>} : memref<16x1024xf32, #tpu.memory_space<vmem>>, vector<16xf32>,
    } {sc.loop_unroll_factor = 4 : i64, sc.parallel_access}
    %add3A_85 = arith.constant 8 : i32
    %add3A_86 = arith.addi %mul3A_34, %add3A_85 : i32
    %dma_start3A_87 = arith.constant 8 : i32
    %dma_start3A_88 = arith.constant 0 : i32
    %dma_start3A_89 = tpu.memref_slice %arg8[%dma_start3A_87, %dma_start3A_88] : memref<16x1024xf32, #tpu.memory_space<vmem>> -> memref<4x1024xf32, #tpu.memory_space<vmem>>
    %dma_start3A_90 = arith.constant 0 : i32
    %dma_start3A_91 = tpu.memref_slice %arg4[%add3A_18, %add3A_86, %dma_start3A_90] : memref<16x64x1024xf32, #tpu.memory_space<hbm>> -> memref<1x4x1024xf32, #tpu.memory_space<hbm>>
    %dma_start3A_92 = tpu.memref_squeeze %dma_start3A_91 : memref<1x4x1024xf32, #tpu.memory_space<hbm>> -> memref<4x1024xf32, #tpu.memory_space<hbm>>
    %dma_start3A_93 = arith.constant 0 : i32
    %dma_start3A_94 = tpu.memref_slice %arg4[%add3A_18, %add3A_86, %dma_start3A_93] : memref<16x64x1024xf32, #tpu.memory_space<hbm>> -> memref<1x4x1024xf32, #tpu.memory_space<hbm>>
    %dma_start3A_95 = tpu.memref_squeeze %dma_start3A_94 : memref<1x4x1024xf32, #tpu.memory_space<hbm>> -> memref<4x1024xf32, #tpu.memory_space<hbm>>
    %dma_start3A_96 = arith.constant 8 : i32
    %dma_start3A_97 = arith.constant 0 : i32
    %dma_start3A_98 = tpu.memref_slice %arg8[%dma_start3A_96, %dma_start3A_97] : memref<16x1024xf32, #tpu.memory_space<vmem>> -> memref<4x1024xf32, #tpu.memory_space<vmem>>
    tpu.enqueue_dma source(%dma_start3A_98 : memref<4x1024xf32, #tpu.memory_space<vmem>>) target(%dma_start3A_95 : memref<4x1024xf32, #tpu.memory_space<hbm>>) target_semaphore(%arg9 : memref<!tpu.dma_semaphore, #tpu.memory_space<semaphore_mem>>)
    %parallel_loop3A_99 = arith.constant 0 : i32
    %parallel_loop3A_100 = arith.constant 64 : i32
    %parallel_loop3A_101 = arith.constant 1 : i32
    scf.for %parallel_loop3A_164 = %parallel_loop3A_99 to %parallel_loop3A_100 step %parallel_loop3A_101  : i32 {
      %parallel_loop3A_165 = arith.constant 16 : i32
      %parallel_loop3A_166 = arith.muli %parallel_loop3A_164, %parallel_loop3A_165 : i32
      %parallel_loop3A_167 = arith.index_cast %parallel_loop3A_166 : i32 to index
      %parallel_loop3A_168 = tpu.vector_load %arg7[%parallel_loop3A_167] {strides = array<i32>} : memref<1024xi32, #tpu.memory_space<vmem>>, vector<16xi32>,
      %parallel_loop3A_169 = arith.constant 12 : i32
      %parallel_loop3A_170 = vector.broadcast %parallel_loop3A_169 : i32 to vector<16xi32>
      %parallel_loop3A_171 = tpu.vector_load_idx %arg6[%parallel_loop3A_168, %parallel_loop3A_170] : memref<1024x16xf32, #tpu.memory_space<vmem>>[vector<16xi32>, vector<16xi32>], vector<16xf32>,
      %parallel_loop3A_172 = arith.constant 16 : i32
      %parallel_loop3A_173 = arith.muli %parallel_loop3A_164, %parallel_loop3A_172 : i32
      %parallel_loop3A_174 = arith.constant 12 : i32
      %parallel_loop3A_175 = arith.index_cast %parallel_loop3A_174 : i32 to index
      %parallel_loop3A_176 = arith.index_cast %parallel_loop3A_173 : i32 to index
      %parallel_loop3A_177 = tpu.vector_load %arg8[%parallel_loop3A_175, %parallel_loop3A_176] {strides = array<i32>} : memref<16x1024xf32, #tpu.memory_space<vmem>>, vector<16xf32>,
      tpu.vector_store %arg8[%parallel_loop3A_175, %parallel_loop3A_176], %parallel_loop3A_171 {strides = array<i32>} : memref<16x1024xf32, #tpu.memory_space<vmem>>, vector<16xf32>,
      %parallel_loop3A_178 = arith.constant 13 : i32
      %parallel_loop3A_179 = vector.broadcast %parallel_loop3A_178 : i32 to vector<16xi32>
      %parallel_loop3A_180 = tpu.vector_load_idx %arg6[%parallel_loop3A_168, %parallel_loop3A_179] : memref<1024x16xf32, #tpu.memory_space<vmem>>[vector<16xi32>, vector<16xi32>], vector<16xf32>,
      %parallel_loop3A_181 = arith.constant 16 : i32
      %parallel_loop3A_182 = arith.muli %parallel_loop3A_164, %parallel_loop3A_181 : i32
      %parallel_loop3A_183 = arith.constant 13 : i32
      %parallel_loop3A_184 = arith.index_cast %parallel_loop3A_183 : i32 to index
      %parallel_loop3A_185 = arith.index_cast %parallel_loop3A_182 : i32 to index
      %parallel_loop3A_186 = tpu.vector_load %arg8[%parallel_loop3A_184, %parallel_loop3A_185] {strides = array<i32>} : memref<16x1024xf32, #tpu.memory_space<vmem>>, vector<16xf32>,
      tpu.vector_store %arg8[%parallel_loop3A_184, %parallel_loop3A_185], %parallel_loop3A_180 {strides = array<i32>} : memref<16x1024xf32, #tpu.memory_space<vmem>>, vector<16xf32>,
      %parallel_loop3A_187 = arith.constant 14 : i32
      %parallel_loop3A_188 = vector.broadcast %parallel_loop3A_187 : i32 to vector<16xi32>
      %parallel_loop3A_189 = tpu.vector_load_idx %arg6[%parallel_loop3A_168, %parallel_loop3A_188] : memref<1024x16xf32, #tpu.memory_space<vmem>>[vector<16xi32>, vector<16xi32>], vector<16xf32>,
      %parallel_loop3A_190 = arith.constant 16 : i32
      %parallel_loop3A_191 = arith.muli %parallel_loop3A_164, %parallel_loop3A_190 : i32
      %parallel_loop3A_192 = arith.constant 14 : i32
      %parallel_loop3A_193 = arith.index_cast %parallel_loop3A_192 : i32 to index
      %parallel_loop3A_194 = arith.index_cast %parallel_loop3A_191 : i32 to index
      %parallel_loop3A_195 = tpu.vector_load %arg8[%parallel_loop3A_193, %parallel_loop3A_194] {strides = array<i32>} : memref<16x1024xf32, #tpu.memory_space<vmem>>, vector<16xf32>,
      tpu.vector_store %arg8[%parallel_loop3A_193, %parallel_loop3A_194], %parallel_loop3A_189 {strides = array<i32>} : memref<16x1024xf32, #tpu.memory_space<vmem>>, vector<16xf32>,
      %parallel_loop3A_196 = arith.constant 15 : i32
      %parallel_loop3A_197 = vector.broadcast %parallel_loop3A_196 : i32 to vector<16xi32>
      %parallel_loop3A_198 = tpu.vector_load_idx %arg6[%parallel_loop3A_168, %parallel_loop3A_197] : memref<1024x16xf32, #tpu.memory_space<vmem>>[vector<16xi32>, vector<16xi32>], vector<16xf32>,
      %parallel_loop3A_199 = arith.constant 16 : i32
      %parallel_loop3A_200 = arith.muli %parallel_loop3A_164, %parallel_loop3A_199 : i32
      %parallel_loop3A_201 = arith.constant 15 : i32
      %parallel_loop3A_202 = arith.index_cast %parallel_loop3A_201 : i32 to index
      %parallel_loop3A_203 = arith.index_cast %parallel_loop3A_200 : i32 to index
      %parallel_loop3A_204 = tpu.vector_load %arg8[%parallel_loop3A_202, %parallel_loop3A_203] {strides = array<i32>} : memref<16x1024xf32, #tpu.memory_space<vmem>>, vector<16xf32>,
      tpu.vector_store %arg8[%parallel_loop3A_202, %parallel_loop3A_203], %parallel_loop3A_198 {strides = array<i32>} : memref<16x1024xf32, #tpu.memory_space<vmem>>, vector<16xf32>,
    } {sc.loop_unroll_factor = 4 : i64, sc.parallel_access}
    %add3A_102 = arith.constant 12 : i32
    %add3A_103 = arith.addi %mul3A_34, %add3A_102 : i32
    %dma_start3A_104 = arith.constant 12 : i32
    %dma_start3A_105 = arith.constant 0 : i32
    %dma_start3A_106 = tpu.memref_slice %arg8[%dma_start3A_104, %dma_start3A_105] : memref<16x1024xf32, #tpu.memory_space<vmem>> -> memref<4x1024xf32, #tpu.memory_space<vmem>>
    %dma_start3A_107 = arith.constant 0 : i32
    %dma_start3A_108 = tpu.memref_slice %arg4[%add3A_18, %add3A_103, %dma_start3A_107] : memref<16x64x1024xf32, #tpu.memory_space<hbm>> -> memref<1x4x1024xf32, #tpu.memory_space<hbm>>
    %dma_start3A_109 = tpu.memref_squeeze %dma_start3A_108 : memref<1x4x1024xf32, #tpu.memory_space<hbm>> -> memref<4x1024xf32, #tpu.memory_space<hbm>>
    %dma_start3A_110 = arith.constant 0 : i32
    %dma_start3A_111 = tpu.memref_slice %arg4[%add3A_18, %add3A_103, %dma_start3A_110] : memref<16x64x1024xf32, #tpu.memory_space<hbm>> -> memref<1x4x1024xf32, #tpu.memory_space<hbm>>
    %dma_start3A_112 = tpu.memref_squeeze %dma_start3A_111 : memref<1x4x1024xf32, #tpu.memory_space<hbm>> -> memref<4x1024xf32, #tpu.memory_space<hbm>>
    %dma_start3A_113 = arith.constant 12 : i32
    %dma_start3A_114 = arith.constant 0 : i32
    %dma_start3A_115 = tpu.memref_slice %arg8[%dma_start3A_113, %dma_start3A_114] : memref<16x1024xf32, #tpu.memory_space<vmem>> -> memref<4x1024xf32, #tpu.memory_space<vmem>>
    tpu.enqueue_dma source(%dma_start3A_115 : memref<4x1024xf32, #tpu.memory_space<vmem>>) target(%dma_start3A_112 : memref<4x1024xf32, #tpu.memory_space<hbm>>) target_semaphore(%arg9 : memref<!tpu.dma_semaphore, #tpu.memory_space<semaphore_mem>>)
    %dma_wait3A_116 = arith.constant 0 : i32
    %dma_wait3A_117 = arith.constant 0 : i32
    %dma_wait3A_118 = tpu.memref_slice %arg8[%dma_wait3A_116, %dma_wait3A_117] : memref<16x1024xf32, #tpu.memory_space<vmem>> -> memref<4x1024xf32, #tpu.memory_space<vmem>>
    %dma_wait3A_119 = arith.constant 0 : i32
    %dma_wait3A_120 = tpu.memref_slice %arg4[%add3A_18, %add3A_52, %dma_wait3A_119] : memref<16x64x1024xf32, #tpu.memory_space<hbm>> -> memref<1x4x1024xf32, #tpu.memory_space<hbm>>
    %dma_wait3A_121 = tpu.memref_squeeze %dma_wait3A_120 : memref<1x4x1024xf32, #tpu.memory_space<hbm>> -> memref<4x1024xf32, #tpu.memory_space<hbm>>
    %dma_wait3A_122 = arith.constant 0 : i32
    %dma_wait3A_123 = tpu.memref_slice %arg4[%add3A_18, %add3A_52, %dma_wait3A_122] : memref<16x64x1024xf32, #tpu.memory_space<hbm>> -> memref<1x4x1024xf32, #tpu.memory_space<hbm>>
    %dma_wait3A_124 = tpu.memref_squeeze %dma_wait3A_123 : memref<1x4x1024xf32, #tpu.memory_space<hbm>> -> memref<4x1024xf32, #tpu.memory_space<hbm>>
    %dma_wait3A_125 = arith.constant 0 : i32
    %dma_wait3A_126 = arith.constant 0 : i32
    %dma_wait3A_127 = tpu.memref_slice %arg8[%dma_wait3A_125, %dma_wait3A_126] : memref<16x1024xf32, #tpu.memory_space<vmem>> -> memref<4x1024xf32, #tpu.memory_space<vmem>>
    tpu.wait_dma2 semaphore(%arg9 : memref<!tpu.dma_semaphore, #tpu.memory_space<semaphore_mem>>) src(%dma_wait3A_127 : memref<4x1024xf32, #tpu.memory_space<vmem>>) dst(%dma_wait3A_124 : memref<4x1024xf32, #tpu.memory_space<hbm>>)
    %dma_wait3A_128 = arith.constant 4 : i32
    %dma_wait3A_129 = arith.constant 0 : i32
    %dma_wait3A_130 = tpu.memref_slice %arg8[%dma_wait3A_128, %dma_wait3A_129] : memref<16x1024xf32, #tpu.memory_space<vmem>> -> memref<4x1024xf32, #tpu.memory_space<vmem>>
    %dma_wait3A_131 = arith.constant 0 : i32
    %dma_wait3A_132 = tpu.memref_slice %arg4[%add3A_18, %add3A_69, %dma_wait3A_131] : memref<16x64x1024xf32, #tpu.memory_space<hbm>> -> memref<1x4x1024xf32, #tpu.memory_space<hbm>>
    %dma_wait3A_133 = tpu.memref_squeeze %dma_wait3A_132 : memref<1x4x1024xf32, #tpu.memory_space<hbm>> -> memref<4x1024xf32, #tpu.memory_space<hbm>>
    %dma_wait3A_134 = arith.constant 0 : i32
    %dma_wait3A_135 = tpu.memref_slice %arg4[%add3A_18, %add3A_69, %dma_wait3A_134] : memref<16x64x1024xf32, #tpu.memory_space<hbm>> -> memref<1x4x1024xf32, #tpu.memory_space<hbm>>
    %dma_wait3A_136 = tpu.memref_squeeze %dma_wait3A_135 : memref<1x4x1024xf32, #tpu.memory_space<hbm>> -> memref<4x1024xf32, #tpu.memory_space<hbm>>
    %dma_wait3A_137 = arith.constant 4 : i32
    %dma_wait3A_138 = arith.constant 0 : i32
    %dma_wait3A_139 = tpu.memref_slice %arg8[%dma_wait3A_137, %dma_wait3A_138] : memref<16x1024xf32, #tpu.memory_space<vmem>> -> memref<4x1024xf32, #tpu.memory_space<vmem>>
    tpu.wait_dma2 semaphore(%arg9 : memref<!tpu.dma_semaphore, #tpu.memory_space<semaphore_mem>>) src(%dma_wait3A_139 : memref<4x1024xf32, #tpu.memory_space<vmem>>) dst(%dma_wait3A_136 : memref<4x1024xf32, #tpu.memory_space<hbm>>)
    %dma_wait3A_140 = arith.constant 8 : i32
    %dma_wait3A_141 = arith.constant 0 : i32
    %dma_wait3A_142 = tpu.memref_slice %arg8[%dma_wait3A_140, %dma_wait3A_141] : memref<16x1024xf32, #tpu.memory_space<vmem>> -> memref<4x1024xf32, #tpu.memory_space<vmem>>
    %dma_wait3A_143 = arith.constant 0 : i32
    %dma_wait3A_144 = tpu.memref_slice %arg4[%add3A_18, %add3A_86, %dma_wait3A_143] : memref<16x64x1024xf32, #tpu.memory_space<hbm>> -> memref<1x4x1024xf32, #tpu.memory_space<hbm>>
    %dma_wait3A_145 = tpu.memref_squeeze %dma_wait3A_144 : memref<1x4x1024xf32, #tpu.memory_space<hbm>> -> memref<4x1024xf32, #tpu.memory_space<hbm>>
    %dma_wait3A_146 = arith.constant 0 : i32
    %dma_wait3A_147 = tpu.memref_slice %arg4[%add3A_18, %add3A_86, %dma_wait3A_146] : memref<16x64x1024xf32, #tpu.memory_space<hbm>> -> memref<1x4x1024xf32, #tpu.memory_space<hbm>>
    %dma_wait3A_148 = tpu.memref_squeeze %dma_wait3A_147 : memref<1x4x1024xf32, #tpu.memory_space<hbm>> -> memref<4x1024xf32, #tpu.memory_space<hbm>>
    %dma_wait3A_149 = arith.constant 8 : i32
    %dma_wait3A_150 = arith.constant 0 : i32
    %dma_wait3A_151 = tpu.memref_slice %arg8[%dma_wait3A_149, %dma_wait3A_150] : memref<16x1024xf32, #tpu.memory_space<vmem>> -> memref<4x1024xf32, #tpu.memory_space<vmem>>
    tpu.wait_dma2 semaphore(%arg9 : memref<!tpu.dma_semaphore, #tpu.memory_space<semaphore_mem>>) src(%dma_wait3A_151 : memref<4x1024xf32, #tpu.memory_space<vmem>>) dst(%dma_wait3A_148 : memref<4x1024xf32, #tpu.memory_space<hbm>>)
    %dma_wait3A_152 = arith.constant 12 : i32
    %dma_wait3A_153 = arith.constant 0 : i32
    %dma_wait3A_154 = tpu.memref_slice %arg8[%dma_wait3A_152, %dma_wait3A_153] : memref<16x1024xf32, #tpu.memory_space<vmem>> -> memref<4x1024xf32, #tpu.memory_space<vmem>>
    %dma_wait3A_155 = arith.constant 0 : i32
    %dma_wait3A_156 = tpu.memref_slice %arg4[%add3A_18, %add3A_103, %dma_wait3A_155] : memref<16x64x1024xf32, #tpu.memory_space<hbm>> -> memref<1x4x1024xf32, #tpu.memory_space<hbm>>
    %dma_wait3A_157 = tpu.memref_squeeze %dma_wait3A_156 : memref<1x4x1024xf32, #tpu.memory_space<hbm>> -> memref<4x1024xf32, #tpu.memory_space<hbm>>
    %dma_wait3A_158 = arith.constant 0 : i32
    %dma_wait3A_159 = tpu.memref_slice %arg4[%add3A_18, %add3A_103, %dma_wait3A_158] : memref<16x64x1024xf32, #tpu.memory_space<hbm>> -> memref<1x4x1024xf32, #tpu.memory_space<hbm>>
    %dma_wait3A_160 = tpu.memref_squeeze %dma_wait3A_159 : memref<1x4x1024xf32, #tpu.memory_space<hbm>> -> memref<4x1024xf32, #tpu.memory_space<hbm>>
    %dma_wait3A_161 = arith.constant 12 : i32
    %dma_wait3A_162 = arith.constant 0 : i32
    %dma_wait3A_163 = tpu.memref_slice %arg8[%dma_wait3A_161, %dma_wait3A_162] : memref<16x1024xf32, #tpu.memory_space<vmem>> -> memref<4x1024xf32, #tpu.memory_space<vmem>>
    tpu.wait_dma2 semaphore(%arg9 : memref<!tpu.dma_semaphore, #tpu.memory_space<semaphore_mem>>) src(%dma_wait3A_163 : memref<4x1024xf32, #tpu.memory_space<vmem>>) dst(%dma_wait3A_160 : memref<4x1024xf32, #tpu.memory_space<hbm>>)
    return
  }
}

module attributes {stable_mosaic.version = 14 : i64} {
  func.func @_vq_tc_body(%arg0: i32, %arg1: memref<1x64x1024xf32, #tpu.memory_space<vmem>>, %arg2: memref<1024x64xf32, #tpu.memory_space<vmem>>, %arg3: memref<1x1x1024xi32, #tpu.memory_space<vmem>>, %arg4: memref<1x1xf32, #tpu.memory_space<vmem>>, %arg5: memref<1024x64xbf16, #tpu.memory_space<vmem>>, %arg6: memref<1024x1xf32, #tpu.memory_space<vmem>>) attributes {dimension_semantics = [#tpu.dimension_semantics<arbitrary>], iteration_bounds = array<i64: 8>, scalar_prefetch = 0 : i64, scratch_operands = 2 : i64, tpu.core_type = #tpu.core_type<tc>, window_params = [{transform_indices = @transform_0, window_bounds = array<i64: 1, 64, 1024>}, {pipeline_mode = #tpu.pipeline_mode<synchronous>, transform_indices = @transform_1, window_bounds = array<i64: 1024, 64>}, {transform_indices = @transform_2, window_bounds = array<i64: 1, 1, 1024>}, {pipeline_mode = #tpu.pipeline_mode<synchronous>, transform_indices = @transform_3, window_bounds = array<i64: 1, 1>}]} {
    %eq3A = arith.constant 0 : i32
    %eq3A_0 = arith.cmpi eq, %arg0, %eq3A : i32
    %convert_element_type3A = arith.extui %eq3A_0 : i1 to i32
    %cond3A = arith.constant 0 : i32
    %cond3A_1 = arith.cmpi ne, %convert_element_type3A, %cond3A : i32
    scf.if %cond3A_1 {
      %get3A_39 = arith.constant 0 : index
      %get3A_40 = arith.constant 0 : index
      %get3A_41 = vector.load %arg2[%get3A_39, %get3A_40] : memref<1024x64xf32, #tpu.memory_space<vmem>>, vector<1024x64xf32>
      %mul3A_42 = arith.constant 2.000000e+00 : f32
      %mul3A_43 = vector.broadcast %mul3A_42 : f32 to vector<1024x64xf32>
      %mul3A_44 = arith.mulf %mul3A_43, %get3A_41 : vector<1024x64xf32>
      %convert_element_type3A_45 = arith.truncf %mul3A_44 : vector<1024x64xf32> to vector<1024x64xbf16>
      %swap3A_46 = arith.constant 0 : index
      %swap3A_47 = arith.constant 0 : index
      %swap3A_48 = vector.load %arg5[%swap3A_46, %swap3A_47] : memref<1024x64xbf16, #tpu.memory_space<vmem>>, vector<1024x64xbf16>
      tpu.vector_store %arg5[%swap3A_46, %swap3A_47], %convert_element_type3A_45 {strides = array<i32>} : memref<1024x64xbf16, #tpu.memory_space<vmem>>, vector<1024x64xbf16>,
      %mul3A_49 = arith.mulf %get3A_41, %get3A_41 : vector<1024x64xf32>
      %reduce_sum3A_50 = arith.constant dense<0.000000e+00> : vector<1024xf32>
      %reduce_sum3A_51 = vector.multi_reduction <add>, %mul3A_49, %reduce_sum3A_50 [1] : vector<1024x64xf32> to vector<1024xf32>
      %broadcast_in_dim3A = vector.shape_cast %reduce_sum3A_51 : vector<1024xf32> to vector<1024x1xf32>
      %swap3A_52 = arith.constant 0 : index
      %swap3A_53 = arith.constant 0 : index
      %swap3A_54 = vector.load %arg6[%swap3A_52, %swap3A_53] : memref<1024x1xf32, #tpu.memory_space<vmem>>, vector<1024x1xf32>
      tpu.vector_store %arg6[%swap3A_52, %swap3A_53], %broadcast_in_dim3A {strides = array<i32>} : memref<1024x1xf32, #tpu.memory_space<vmem>>, vector<1024x1xf32>,
    } else {
    }
    %get3A = arith.constant 0 : index
    %get3A_2 = arith.constant 0 : index
    %get3A_3 = arith.constant 0 : index
    %get3A_4 = vector.load %arg1[%get3A, %get3A_2, %get3A_3] : memref<1x64x1024xf32, #tpu.memory_space<vmem>>, vector<1x64x1024xf32>
    %get3A_5 = vector.shape_cast %get3A_4 : vector<1x64x1024xf32> to vector<64x1024xf32>
    %get3A_6 = arith.constant 0 : index
    %get3A_7 = arith.constant 0 : index
    %get3A_8 = vector.load %arg5[%get3A_6, %get3A_7] : memref<1024x64xbf16, #tpu.memory_space<vmem>>, vector<1024x64xbf16>
    %convert_element_type3A_9 = arith.truncf %get3A_5 : vector<64x1024xf32> to vector<64x1024xbf16>
    %dot_general3A = arith.constant dense<0.000000e+00> : vector<1024x1024xf32>
    %dot_general3A_10 = tpu.matmul %get3A_8, %convert_element_type3A_9, %dot_general3A {dimension_numbers = #tpu.dot_dimension_numbers<[1], [0], [0], [1], [0, 0, 1, 1], [], []>, transpose_lhs_hint = false} : vector<1024x64xbf16>, vector<64x1024xbf16>, vector<1024x1024xf32> -> vector<1024x1024xf32>
    %get3A_11 = arith.constant 0 : index
    %get3A_12 = arith.constant 0 : index
    %get3A_13 = vector.load %arg6[%get3A_11, %get3A_12] : memref<1024x1xf32, #tpu.memory_space<vmem>>, vector<1024x1xf32>
    %sub3A = vector.broadcast %get3A_13 : vector<1024x1xf32> to vector<1024x1024xf32>
    %sub3A_14 = arith.subf %sub3A, %dot_general3A_10 : vector<1024x1024xf32>
    %reduce_min3A = arith.constant dense<0x7F800000> : vector<1024xf32>
    %reduce_min3A_15 = vector.multi_reduction <minimumf>, %sub3A_14, %reduce_min3A [0] : vector<1024x1024xf32> to vector<1024xf32>
    %argmin3A = tpu.reduce_index %sub3A_14 {axis = 0 : i32, kind = #tpu.reduction_kind<arg_min>} : vector<1024x1024xf32> -> vector<1024xi32>
    %swap3A = arith.constant 0 : index
    %swap3A_16 = arith.constant 0 : index
    %swap3A_17 = arith.constant 0 : index
    %swap3A_18 = vector.load %arg3[%swap3A, %swap3A_16, %swap3A_17] : memref<1x1x1024xi32, #tpu.memory_space<vmem>>, vector<1x1x1024xi32>
    %swap3A_19 = vector.shape_cast %swap3A_18 : vector<1x1x1024xi32> to vector<1024xi32>
    %swap3A_20 = vector.shape_cast %argmin3A : vector<1024xi32> to vector<1x1x1024xi32>
    tpu.vector_store %arg3[%swap3A, %swap3A_16, %swap3A_17], %swap3A_20 {strides = array<i32>} : memref<1x1x1024xi32, #tpu.memory_space<vmem>>, vector<1x1x1024xi32>,
    %reduce_sum3A = vector.shape_cast %reduce_min3A_15 : vector<1024xf32> to vector<1x1024xf32>
    %reduce_sum3A_21 = arith.constant dense<0.000000e+00> : vector<1xf32>
    %reduce_sum3A_22 = vector.multi_reduction <add>, %reduce_sum3A, %reduce_sum3A_21 [1] : vector<1x1024xf32> to vector<1xf32>
    %reduce_sum3A_23 = vector.shape_cast %reduce_sum3A_22 : vector<1xf32> to vector<1x1xf32>
    %reduce_sum3A_24 = vector.extract %reduce_sum3A_23[0, 0] : f32 from vector<1x1xf32>
    %mul3A = arith.mulf %get3A_5, %get3A_5 : vector<64x1024xf32>
    %reduce_sum3A_25 = vector.shape_cast %mul3A : vector<64x1024xf32> to vector<1x64x1024xf32>
    %reduce_sum3A_26 = arith.constant dense<0.000000e+00> : vector<1xf32>
    %reduce_sum3A_27 = vector.multi_reduction <add>, %reduce_sum3A_25, %reduce_sum3A_26 [1, 2] : vector<1x64x1024xf32> to vector<1xf32>
    %reduce_sum3A_28 = vector.shape_cast %reduce_sum3A_27 : vector<1xf32> to vector<1x1x1xf32>
    %reduce_sum3A_29 = vector.extract %reduce_sum3A_28[0, 0, 0] : f32 from vector<1x1x1xf32>
    %add3A = arith.addf %reduce_sum3A_24, %reduce_sum3A_29 : f32
    %reshape3A = vector.broadcast %add3A : f32 to vector<1x1xf32>
    %eq3A_30 = arith.constant 0 : i32
    %eq3A_31 = arith.cmpi eq, %arg0, %eq3A_30 : i32
    %convert_element_type3A_32 = arith.extui %eq3A_31 : i1 to i32
    %cond3A_33 = arith.constant 0 : i32
    %cond3A_34 = arith.cmpi ne, %convert_element_type3A_32, %cond3A_33 : i32
    scf.if %cond3A_34 {
      %swap3A_39 = arith.constant 0 : index
      %swap3A_40 = arith.constant 0 : index
      %swap3A_41 = vector.load %arg4[%swap3A_39, %swap3A_40] : memref<1x1xf32, #tpu.memory_space<vmem>>, vector<1x1xf32>
      tpu.vector_store %arg4[%swap3A_39, %swap3A_40], %reshape3A {strides = array<i32>} : memref<1x1xf32, #tpu.memory_space<vmem>>, vector<1x1xf32>,
    } else {
    }
    %gt3A = arith.constant 0 : i32
    %gt3A_35 = arith.cmpi sgt, %arg0, %gt3A : i32
    %convert_element_type3A_36 = arith.extui %gt3A_35 : i1 to i32
    %cond3A_37 = arith.constant 0 : i32
    %cond3A_38 = arith.cmpi ne, %convert_element_type3A_36, %cond3A_37 : i32
    scf.if %cond3A_38 {
      %get3A_39 = arith.constant 0 : index
      %get3A_40 = arith.constant 0 : index
      %get3A_41 = vector.load %arg4[%get3A_39, %get3A_40] : memref<1x1xf32, #tpu.memory_space<vmem>>, vector<1x1xf32>
      %add3A_42 = arith.addf %get3A_41, %reshape3A : vector<1x1xf32>
      %swap3A_43 = arith.constant 0 : index
      %swap3A_44 = arith.constant 0 : index
      %swap3A_45 = vector.load %arg4[%swap3A_43, %swap3A_44] : memref<1x1xf32, #tpu.memory_space<vmem>>, vector<1x1xf32>
      tpu.vector_store %arg4[%swap3A_43, %swap3A_44], %add3A_42 {strides = array<i32>} : memref<1x1xf32, #tpu.memory_space<vmem>>, vector<1x1xf32>,
    } else {
    }
    return
  }
  func.func @transform_0(%arg0: i32) -> (i32, i32, i32) {
    %add3A = arith.constant 8 : i32
    %add3A_0 = arith.addi %arg0, %add3A : i32
    %c0_i32 = arith.constant 0 : i32
    %c0_i32_1 = arith.constant 0 : i32
    %c0_i32_2 = arith.constant 0 : i32
    return %add3A_0, %c0_i32, %c0_i32_1 : i32, i32, i32
  }
  func.func @transform_1(%arg0: i32) -> (i32, i32) {
    %c0_i32 = arith.constant 0 : i32
    %c0_i32_0 = arith.constant 0 : i32
    %c0_i32_1 = arith.constant 0 : i32
    return %c0_i32, %c0_i32_0 : i32, i32
  }
  func.func @transform_2(%arg0: i32) -> (i32, i32, i32) {
    %c0_i32 = arith.constant 0 : i32
    %c0_i32_0 = arith.constant 0 : i32
    %c0_i32_1 = arith.constant 0 : i32
    return %arg0, %c0_i32, %c0_i32_0 : i32, i32, i32
  }
  func.func @transform_3(%arg0: i32) -> (i32, i32) {
    %c0_i32 = arith.constant 0 : i32
    %c0_i32_0 = arith.constant 0 : i32
    %c0_i32_1 = arith.constant 0 : i32
    return %c0_i32, %c0_i32_0 : i32, i32
  }
}

module attributes {stable_mosaic.version = 14 : i64} {
  func.func @_vq_tc_body(%arg0: i32, %arg1: memref<1x64x1024xf32, #tpu.memory_space<vmem>>, %arg2: memref<1024x64xf32, #tpu.memory_space<vmem>>, %arg3: memref<1x1x1024xi32, #tpu.memory_space<vmem>>, %arg4: memref<1x1xf32, #tpu.memory_space<vmem>>, %arg5: memref<1024x64xbf16, #tpu.memory_space<vmem>>, %arg6: memref<1024x1xf32, #tpu.memory_space<vmem>>) attributes {dimension_semantics = [#tpu.dimension_semantics<arbitrary>], iteration_bounds = array<i64: 8>, scalar_prefetch = 0 : i64, scratch_operands = 2 : i64, tpu.core_type = #tpu.core_type<tc>, window_params = [{transform_indices = @transform_0, window_bounds = array<i64: 1, 64, 1024>}, {pipeline_mode = #tpu.pipeline_mode<synchronous>, transform_indices = @transform_1, window_bounds = array<i64: 1024, 64>}, {transform_indices = @transform_2, window_bounds = array<i64: 1, 1, 1024>}, {pipeline_mode = #tpu.pipeline_mode<synchronous>, transform_indices = @transform_3, window_bounds = array<i64: 1, 1>}]} {
    %eq3A = arith.constant 0 : i32
    %eq3A_0 = arith.cmpi eq, %arg0, %eq3A : i32
    %convert_element_type3A = arith.extui %eq3A_0 : i1 to i32
    %cond3A = arith.constant 0 : i32
    %cond3A_1 = arith.cmpi ne, %convert_element_type3A, %cond3A : i32
    scf.if %cond3A_1 {
      %get3A_39 = arith.constant 0 : index
      %get3A_40 = arith.constant 0 : index
      %get3A_41 = vector.load %arg2[%get3A_39, %get3A_40] : memref<1024x64xf32, #tpu.memory_space<vmem>>, vector<1024x64xf32>
      %mul3A_42 = arith.constant 2.000000e+00 : f32
      %mul3A_43 = vector.broadcast %mul3A_42 : f32 to vector<1024x64xf32>
      %mul3A_44 = arith.mulf %mul3A_43, %get3A_41 : vector<1024x64xf32>
      %convert_element_type3A_45 = arith.truncf %mul3A_44 : vector<1024x64xf32> to vector<1024x64xbf16>
      %swap3A_46 = arith.constant 0 : index
      %swap3A_47 = arith.constant 0 : index
      %swap3A_48 = vector.load %arg5[%swap3A_46, %swap3A_47] : memref<1024x64xbf16, #tpu.memory_space<vmem>>, vector<1024x64xbf16>
      tpu.vector_store %arg5[%swap3A_46, %swap3A_47], %convert_element_type3A_45 {strides = array<i32>} : memref<1024x64xbf16, #tpu.memory_space<vmem>>, vector<1024x64xbf16>,
      %mul3A_49 = arith.mulf %get3A_41, %get3A_41 : vector<1024x64xf32>
      %reduce_sum3A_50 = arith.constant dense<0.000000e+00> : vector<1024xf32>
      %reduce_sum3A_51 = vector.multi_reduction <add>, %mul3A_49, %reduce_sum3A_50 [1] : vector<1024x64xf32> to vector<1024xf32>
      %broadcast_in_dim3A = vector.shape_cast %reduce_sum3A_51 : vector<1024xf32> to vector<1024x1xf32>
      %swap3A_52 = arith.constant 0 : index
      %swap3A_53 = arith.constant 0 : index
      %swap3A_54 = vector.load %arg6[%swap3A_52, %swap3A_53] : memref<1024x1xf32, #tpu.memory_space<vmem>>, vector<1024x1xf32>
      tpu.vector_store %arg6[%swap3A_52, %swap3A_53], %broadcast_in_dim3A {strides = array<i32>} : memref<1024x1xf32, #tpu.memory_space<vmem>>, vector<1024x1xf32>,
    } else {
    }
    %get3A = arith.constant 0 : index
    %get3A_2 = arith.constant 0 : index
    %get3A_3 = arith.constant 0 : index
    %get3A_4 = vector.load %arg1[%get3A, %get3A_2, %get3A_3] : memref<1x64x1024xf32, #tpu.memory_space<vmem>>, vector<1x64x1024xf32>
    %get3A_5 = vector.shape_cast %get3A_4 : vector<1x64x1024xf32> to vector<64x1024xf32>
    %get3A_6 = arith.constant 0 : index
    %get3A_7 = arith.constant 0 : index
    %get3A_8 = vector.load %arg5[%get3A_6, %get3A_7] : memref<1024x64xbf16, #tpu.memory_space<vmem>>, vector<1024x64xbf16>
    %convert_element_type3A_9 = arith.truncf %get3A_5 : vector<64x1024xf32> to vector<64x1024xbf16>
    %dot_general3A = arith.constant dense<0.000000e+00> : vector<1024x1024xf32>
    %dot_general3A_10 = tpu.matmul %get3A_8, %convert_element_type3A_9, %dot_general3A {dimension_numbers = #tpu.dot_dimension_numbers<[1], [0], [0], [1], [0, 0, 1, 1], [], []>, transpose_lhs_hint = false} : vector<1024x64xbf16>, vector<64x1024xbf16>, vector<1024x1024xf32> -> vector<1024x1024xf32>
    %get3A_11 = arith.constant 0 : index
    %get3A_12 = arith.constant 0 : index
    %get3A_13 = vector.load %arg6[%get3A_11, %get3A_12] : memref<1024x1xf32, #tpu.memory_space<vmem>>, vector<1024x1xf32>
    %sub3A = vector.broadcast %get3A_13 : vector<1024x1xf32> to vector<1024x1024xf32>
    %sub3A_14 = arith.subf %sub3A, %dot_general3A_10 : vector<1024x1024xf32>
    %reduce_min3A = arith.constant dense<0x7F800000> : vector<1024xf32>
    %reduce_min3A_15 = vector.multi_reduction <minimumf>, %sub3A_14, %reduce_min3A [0] : vector<1024x1024xf32> to vector<1024xf32>
    %argmin3A = tpu.reduce_index %sub3A_14 {axis = 0 : i32, kind = #tpu.reduction_kind<arg_min>} : vector<1024x1024xf32> -> vector<1024xi32>
    %swap3A = arith.constant 0 : index
    %swap3A_16 = arith.constant 0 : index
    %swap3A_17 = arith.constant 0 : index
    %swap3A_18 = vector.load %arg3[%swap3A, %swap3A_16, %swap3A_17] : memref<1x1x1024xi32, #tpu.memory_space<vmem>>, vector<1x1x1024xi32>
    %swap3A_19 = vector.shape_cast %swap3A_18 : vector<1x1x1024xi32> to vector<1024xi32>
    %swap3A_20 = vector.shape_cast %argmin3A : vector<1024xi32> to vector<1x1x1024xi32>
    tpu.vector_store %arg3[%swap3A, %swap3A_16, %swap3A_17], %swap3A_20 {strides = array<i32>} : memref<1x1x1024xi32, #tpu.memory_space<vmem>>, vector<1x1x1024xi32>,
    %reduce_sum3A = vector.shape_cast %reduce_min3A_15 : vector<1024xf32> to vector<1x1024xf32>
    %reduce_sum3A_21 = arith.constant dense<0.000000e+00> : vector<1xf32>
    %reduce_sum3A_22 = vector.multi_reduction <add>, %reduce_sum3A, %reduce_sum3A_21 [1] : vector<1x1024xf32> to vector<1xf32>
    %reduce_sum3A_23 = vector.shape_cast %reduce_sum3A_22 : vector<1xf32> to vector<1x1xf32>
    %reduce_sum3A_24 = vector.extract %reduce_sum3A_23[0, 0] : f32 from vector<1x1xf32>
    %mul3A = arith.mulf %get3A_5, %get3A_5 : vector<64x1024xf32>
    %reduce_sum3A_25 = vector.shape_cast %mul3A : vector<64x1024xf32> to vector<1x64x1024xf32>
    %reduce_sum3A_26 = arith.constant dense<0.000000e+00> : vector<1xf32>
    %reduce_sum3A_27 = vector.multi_reduction <add>, %reduce_sum3A_25, %reduce_sum3A_26 [1, 2] : vector<1x64x1024xf32> to vector<1xf32>
    %reduce_sum3A_28 = vector.shape_cast %reduce_sum3A_27 : vector<1xf32> to vector<1x1x1xf32>
    %reduce_sum3A_29 = vector.extract %reduce_sum3A_28[0, 0, 0] : f32 from vector<1x1x1xf32>
    %add3A = arith.addf %reduce_sum3A_24, %reduce_sum3A_29 : f32
    %reshape3A = vector.broadcast %add3A : f32 to vector<1x1xf32>
    %eq3A_30 = arith.constant 0 : i32
    %eq3A_31 = arith.cmpi eq, %arg0, %eq3A_30 : i32
    %convert_element_type3A_32 = arith.extui %eq3A_31 : i1 to i32
    %cond3A_33 = arith.constant 0 : i32
    %cond3A_34 = arith.cmpi ne, %convert_element_type3A_32, %cond3A_33 : i32
    scf.if %cond3A_34 {
      %swap3A_39 = arith.constant 0 : index
      %swap3A_40 = arith.constant 0 : index
      %swap3A_41 = vector.load %arg4[%swap3A_39, %swap3A_40] : memref<1x1xf32, #tpu.memory_space<vmem>>, vector<1x1xf32>
      tpu.vector_store %arg4[%swap3A_39, %swap3A_40], %reshape3A {strides = array<i32>} : memref<1x1xf32, #tpu.memory_space<vmem>>, vector<1x1xf32>,
    } else {
    }
    %gt3A = arith.constant 0 : i32
    %gt3A_35 = arith.cmpi sgt, %arg0, %gt3A : i32
    %convert_element_type3A_36 = arith.extui %gt3A_35 : i1 to i32
    %cond3A_37 = arith.constant 0 : i32
    %cond3A_38 = arith.cmpi ne, %convert_element_type3A_36, %cond3A_37 : i32
    scf.if %cond3A_38 {
      %get3A_39 = arith.constant 0 : index
      %get3A_40 = arith.constant 0 : index
      %get3A_41 = vector.load %arg4[%get3A_39, %get3A_40] : memref<1x1xf32, #tpu.memory_space<vmem>>, vector<1x1xf32>
      %add3A_42 = arith.addf %get3A_41, %reshape3A : vector<1x1xf32>
      %swap3A_43 = arith.constant 0 : index
      %swap3A_44 = arith.constant 0 : index
      %swap3A_45 = vector.load %arg4[%swap3A_43, %swap3A_44] : memref<1x1xf32, #tpu.memory_space<vmem>>, vector<1x1xf32>
      tpu.vector_store %arg4[%swap3A_43, %swap3A_44], %add3A_42 {strides = array<i32>} : memref<1x1xf32, #tpu.memory_space<vmem>>, vector<1x1xf32>,
    } else {
    }
    return
  }
  func.func @transform_0(%arg0: i32) -> (i32, i32, i32) {
    %add3A = arith.constant 0 : i32
    %add3A_0 = arith.addi %arg0, %add3A : i32
    %c0_i32 = arith.constant 0 : i32
    %c0_i32_1 = arith.constant 0 : i32
    %c0_i32_2 = arith.constant 0 : i32
    return %add3A_0, %c0_i32, %c0_i32_1 : i32, i32, i32
  }
  func.func @transform_1(%arg0: i32) -> (i32, i32) {
    %c0_i32 = arith.constant 0 : i32
    %c0_i32_0 = arith.constant 0 : i32
    %c0_i32_1 = arith.constant 0 : i32
    return %c0_i32, %c0_i32_0 : i32, i32
  }
  func.func @transform_2(%arg0: i32) -> (i32, i32, i32) {
    %c0_i32 = arith.constant 0 : i32
    %c0_i32_0 = arith.constant 0 : i32
    %c0_i32_1 = arith.constant 0 : i32
    return %arg0, %c0_i32, %c0_i32_0 : i32, i32, i32
  }
  func.func @transform_3(%arg0: i32) -> (i32, i32) {
    %c0_i32 = arith.constant 0 : i32
    %c0_i32_0 = arith.constant 0 : i32
    %c0_i32_1 = arith.constant 0 : i32
    return %c0_i32, %c0_i32_0 : i32, i32
  }
}

</mosaic_0001>

<sc_bundles>
// kernel: kernel.6.cloned.1.call-start
scs
__scs_entry_jumppad:
0x0: {  	(pc) =	sbr.rel $0x88, $3  }
0x1: {  	(tag) =	ssettag $0x0;
	lr =	simm.s32 $0x1  }
0x2: {  	[smem:$0x3F9F] =	sst lr;
	_ =	strace $0xD0000000  }
0x3: {  	_ = 	snop  }
0x4: {  	_ = 	snop  }
0x5: {  	_ = 	snop  }
0x6: {  	_ = 	snop  }
0x7: {  	_ = 	snop  }
__scs_overlays_trampoline_lowered:
0x8: {  	[smem:$0x3FAE] =	sst s0  }
0x9: {  	[smem:$0x3FAF] =	sst s1  }
0xa: {  	[smem:$0x3FB0] =	sst s2  }
0xb: {  	[smem:$0x3FB1] =	sst s3  }
0xc: {  	[smem:$0x3FB2] =	sst s4  }
0xd: {  	[smem:$0x3FB3] =	sst s5  }
0xe: {  	[smem:$0x3FB4] =	sst s6  }
0xf: {  	[smem:$0x3FB5] =	sst s7  }
0x10: {  	[smem:$0x3FB6] =	sst s8  }
0x11: {  	[smem:$0x3FB7] =	sst s9;
	s0 =	simm.s32 @!p0 $0x0  }
0x12: {  	s1 =	sld [smem:$0x3F9D];
	s0 =	simm.s32 @p0 $0x1  }
0x13: {  	[smem:$0x3FB8] =	sst s0;
	s0 =	simm.s32 @!p1 $0x0  }
0x14: {  	s2 =	sld [smem:$0x3F9C];
	s0 =	simm.s32 @p1 $0x1  }
0x15: {  	[smem:$0x3FB9] =	sst s0;
	s0 =	simm.s32 @!p2 $0x0  }
0x16: {  	s3 =	sld [smem:$0x3FDB];
	s0 =	simm.s32 @p2 $0x1  }
0x17: {  	s4 =	simm.s32 $0x1BF5;
	[smem:$0x3FBB] =	sst s0  }
0x18: {  	s0 =	sld [smem:$0x3F9E];
	_ =	swait.ge [sflag:s4], $0x0  }
0x19: {  	s7 =	sld [smem:$0x3F9F]  }
0x1a: {  	s8 =	sadd.s32 $0xFFFFE003, lr  }
0x1b: {  	s9 =	sadd.s32 $0xFFFFFEF7, lr;
	s5 =	simm.s32 $0xFFFFFFFF;
	p2 =	slt.u32 s8, $0xFFFFF086  }
0x1c: {  	p1 =	slt.u32 s9, $0xF7A;
	s5 =	simm.s32 @!p2 $0x0  }
0x1d: {  	s5 =	simm.s32 @p1 $0x1;
	p0 =	seq.s32 s7, s2  }
0x1e: {  	s7 =	smul.u32 @!p0 $0xF7A, s2;
	p2 =	seq.s32 @!p0 s5, $0x0  }
0x1f: {  	s9 =	smul.u32 $0xF7A, s1;
	s8 =	simm.s32 @!p0 $0x1BF5;
	p2 =	por !p2, p0  }
0x20: {  	[sflag:s8] =	ssyncset.s32 @!p0 $0xFFFFF086;
	s6 =	sadd.s32 @!p0 s3, s7;
	s7 =	simm.s32 @!p0 $0x108  }
0x21: {  	s3 =	sadd.s32 s3, s9;
	s6 =	sadd.s32 @!p0 $0x88, s6;
	s7 =	simm.s32 @p2 $0x1082  }
0x22: {  	[simem:s7], [sflag:s8] =	dma.local @!p0 [hbm:s6], $0xF7A  }
0x23: {  	s9 =	sor.u32 $0xD0000000, s2;
	s6 =	simm.s32 $0x108;
	_ =	swait.ge @!p0 [sflag:s8], $0x0  }
0x24: {  	s3 =	sadd.s32 $0x88, s3;
	s6 =	simm.s32 @!p1 $0x1082;
	[sflag:s4] =	ssyncset.s32 $0xFFFFF086  }
0x25: {  	[simem:s6], [sflag:s4] =	dma.local [hbm:s3], $0xF7A  }
0x26: {  	[smem:$0x3F9F] =	sst s1;
	(tag) =	ssettag s2;
	_ =	strace s9  }
0x27: {  	s1 =	sld [smem:$0x3FAF]  }
0x28: {  	s2 =	sld [smem:$0x3FB0]  }
0x29: {  	s4 =	sld [smem:$0x3FB2]  }
0x2a: {  	p0 =	seq.s32 s5, $0x0;
	s5 =	sld [smem:$0x3FB3]  }
0x2b: {  	s6 =	sld [smem:$0x3FB4]  }
0x2c: {  	s7 =	sld [smem:$0x3FB5]  }
0x2d: {  	s3 =	simm.s32 $0x108;
	s8 =	sld [smem:$0x3FB6]  }
0x2e: {  	s3 =	simm.s32 @!p0 $0x1082;
	s9 =	sld [smem:$0x3FB7]  }
0x2f: {  	lr =	sadd.s32 s0, s3;
	s0 =	sld [smem:$0x3FAE]  }
0x30: {  	s3 =	sld [smem:$0x3FB1]  }
0x31: {  	[smem:$0x3FBA] =	sst s10  }
0x32: {  	s10 =	sld [smem:$0x3FB8];
	_ =	sdelay $0x3  }
0x33: {  	p0 =	seq.s32 s10, $0x1;
	s10 =	sld [smem:$0x3FBA];
	_ =	sdelay $0x3  }
0x34: {  	[smem:$0x3FBA] =	sst s10  }
0x35: {  	s10 =	sld [smem:$0x3FB9];
	_ =	sdelay $0x3  }
0x36: {  	p1 =	seq.s32 s10, $0x1;
	s10 =	sld [smem:$0x3FBA];
	_ =	sdelay $0x3  }
0x37: {  	[smem:$0x3FBA] =	sst s10  }
0x38: {  	s10 =	sld [smem:$0x3FBB]  }
0x39: {  	_ = 	snop;
	(pc) =	sbr.ind lr, $3  }
0x3a: {  	_ = 	snop  }
0x3b: {  	_ = 	snop  }
0x3c: {  	p2 =	seq.s32 s10, $0x1;
	s10 =	sld [smem:$0x3FBA]  }
0x3d: {  	_ =	shalt  }
0x3e: {  	_ =	shalt  }
0x3f: {  	_ =	shalt  }
0x40: {  	_ =	shalt  }
0x41: {  	_ =	shalt  }
0x42: {  	_ =	shalt  }
0x43: {  	_ =	shalt  }
0x44: {  	_ =	shalt  }
0x45: {  	_ =	shalt  }
0x46: {  	_ =	shalt  }
0x47: {  	_ =	shalt  }
0x48: {  	_ =	shalt  }
0x49: {  	_ =	shalt  }
0x4a: {  	_ =	shalt  }
0x4b: {  	_ =	shalt  }
0x4c: {  	_ =	shalt  }
0x4d: {  	_ =	shalt  }
0x4e: {  	_ =	shalt  }
0x4f: {  	_ =	shalt  }
0x50: {  	_ =	shalt  }
0x51: {  	_ =	shalt  }
0x52: {  	_ =	shalt  }
0x53: {  	_ =	shalt  }
0x54: {  	_ =	shalt  }
0x55: {  	_ =	shalt  }
0x56: {  	_ =	shalt  }
0x57: {  	_ =	shalt  }
0x58: {  	_ =	shalt  }
0x59: {  	_ =	shalt  }
0x5a: {  	_ =	shalt  }
0x5b: {  	_ =	shalt  }
0x5c: {  	_ =	shalt  }
0x5d: {  	_ =	shalt  }
0x5e: {  	_ =	shalt  }
0x5f: {  	_ =	shalt  }
0x60: {  	_ =	shalt  }
0x61: {  	_ =	shalt  }
0x62: {  	_ =	shalt  }
0x63: {  	_ =	shalt  }
0x64: {  	_ =	shalt  }
0x65: {  	_ =	shalt  }
0x66: {  	_ =	shalt  }
0x67: {  	_ =	shalt  }
0x68: {  	_ =	shalt  }
0x69: {  	_ =	shalt  }
0x6a: {  	_ =	shalt  }
0x6b: {  	_ =	shalt  }
0x6c: {  	_ =	shalt  }
0x6d: {  	_ =	shalt  }
0x6e: {  	_ =	shalt  }
0x6f: {  	_ =	shalt  }
0x70: {  	_ =	shalt  }
0x71: {  	_ =	shalt  }
0x72: {  	_ =	shalt  }
0x73: {  	_ =	shalt  }
0x74: {  	_ =	shalt  }
0x75: {  	_ =	shalt  }
0x76: {  	_ =	shalt  }
0x77: {  	_ =	shalt  }
0x78: {  	_ =	shalt  }
0x79: {  	_ =	shalt  }
0x7a: {  	_ =	shalt  }
0x7b: {  	_ =	shalt  }
0x7c: {  	_ =	shalt  }
0x7d: {  	_ =	shalt  }
0x7e: {  	_ =	shalt  }
0x7f: {  	_ =	shalt  }
0x80: {  	_ =	shalt  }
0x81: {  	_ =	shalt  }
0x82: {  	_ =	shalt  }
0x83: {  	_ =	shalt  }
0x84: {  	_ =	shalt  }
0x85: {  	_ =	shalt  }
0x86: {  	_ =	shalt  }
0x87: {  	_ =	shalt  }
.Lfunc_end0:
.L_simem_size_0:
called_computation_lowered:
.L_overlay_start_0:
0x88: {  	s2 =	sld [smem:$0x3FD9]  }
0x89: {  	s3 =	sld [smem:$0x3FFE];
	_ =	sdelay $0x1  }
0x8a: {  	s1 =	srdreg.scid  }
0x8b: {  	s0 =	sand.u32 $0x1, s1  }
0x8c: {  	s14 =	sshll.u32 s0, $0xA;
	s2 =	sadd.s32 s3, s2  }
0x8d: {  	s2 =	sadd.s32 s2, s14  }
0x8e: {  	[smem:$0x3FC6] =	sst s2  }
0x8f: {  	_ = 	snop  }
0x90: {  	s2 =	sld [smem:$0x3FD0];
	_ =	sdelay $0x2  }
0x91: {  	s15 =	simm.s32 $0xA;
	s4 =	simm.s32 $0x10  }
0x92: {  	[smem:s4], [sflag:s15] =	dma.local [hbm:s2], $0x1  }
0x93: {  	_ =	swait.eq [sflag:s15], $0x1  }
0x94: {  	[sflag:s15] =	ssyncset.done $0x0  }
0x95: {  	s16 =	sld [smem:$0x10];
	[sflag:s15] =	ssyncadd.s32 $0xFFFFFFFF  }
0x96: {  	s17 =	sld [smem:$0x11];
	(tm) =	ssettm $0x1  }
0x97: {  	s18 =	sld [smem:$0x3FFB];
	_ =	sdelay $0x3  }
0x98: {  	_ =	strace s18  }
0x99: {  	s4 =	sld [smem:$0x3FFC];
	_ =	sdelay $0x3  }
0x9a: {  	_ =	strace s4  }
0x9b: {  	s4 =	sld [smem:$0x3FFD];
	_ =	sdelay $0x3  }
0x9c: {  	_ =	strace s4  }
0x9d: {  	_ =	strace $0x8FFFFFFF  }
0x9e: {  	s19 =	sld [smem:$0x3FDB];
	_ =	sdelay $0x1  }
0x9f: {  	s5 =	simm.s32 $_scs_section_size  }
0xa0: {  	s6 =	simm.s32 $_size__tile_overlayer_lowered;
	s7 =	simm.s32 $_tile_overlayer_lowered  }
0xa1: {  	s22 =	simm.s32 $0x1BFF;
	s21 =	sshll.u32 s7, $0x1;
	s4 =	sadd.s32 s5, s19  }
0xa2: {  	s8 =	simm.s32 $0x0;
	s20 =	sshll.u32 s6, $0x1;
	s6 =	sadd.s32 s21, s4  }
0xa3: {  	[timem:s8], [sflag:s22] =	dma.local [hbm:s6], s20  }
0xa4: {  	_ =	swait.ge [sflag:s22], s20  }
0xa5: {  	s5 =	ssub.s32 $0x0, s20;
	[sflag:s22] =	ssyncset.done $0x0  }
0xa6: {  	[sflag:s22] =	ssyncadd.s32 s5;
	_ =	sdelay $0x1  }
0xa7: {  	s23 =	simm.s32 $0x1B8B  }
0xa8: {  	_ =	swait.ge [sflag:s23], $0x1  }
0xa9: {  	[sflag:s23] =	ssyncset.done $0x0  }
0xaa: {  	s25 =	simm.s32 $0x1B8E;
	s24 =	sld [smem:$0x3FFE];
	[sflag:s23] =	ssyncadd.s32 $0xFFFFFFFF  }
0xab: {  	s26 =	simm.s32 $execute0_lowered;
	[smem:$0x3FD2] =	sst s25  }
0xac: {  	s6 =	sshll.u32 s26, $0x1;
	_ =	strace $0x80000046;
	[dreg:$0x1] =	wrdreg $0xFFFFFFFF  }
0xad: {  	s28 =	simm.s32 $_size_execute0_lowered;
	s4 =	sadd.s32 s4, s6;
	[dreg:$0x0] =	wrdreg $0x0  }
0xae: {  	s6 =	sshll.u32 s28, $0x1;
	[dreg:$0x2] =	wrdreg s4  }
0xaf: {  	[dreg:$0x3] =	wrdreg s6  }
0xb0: {  	[dreg:$0x4] =	wrdreg $0xC0  }
0xb1: {  	_ =	task [dreg:s8], $0x5FFFF  }
0xb2: {  	[dreg:$0x1] =	wrdreg $0xFFFFFFFF  }
0xb3: {  	[dreg:$0x0] =	wrdreg $0x60  }
0xb4: {  	[dreg:$0x2] =	wrdreg s24  }
0xb5: {  	[dreg:$0x3] =	wrdreg s17  }
0xb6: {  	[dreg:$0x4] =	wrdreg s16  }
0xb7: {  	[dreg:$0x5] =	wrdreg $0x9  }
0xb8: {  	_ =	task.clear_ibuf [dreg:s8], $0x6FFFF;
	_ =	strace $0x90000046  }
0xb9: {  	s29 =	simm.s32 $0x9;
	_ =	strace $0x80000048  }
0xba: {  	_ =	swait.ge [sflag:s29], $0x1  }
0xbb: {  	[sflag:s29] =	ssyncadd.s32 $0xFFFFFFFF  }
0xbc: {  	_ =	strace $0x90000048  }
0xbd: {  	_ =	sfence  }
0xbe: {  	s30 =	sld [smem:$0x0];
	_ =	sdelay $0x2  }
0xbf: {  	s31 =	sshll.u32 s1, $0xD;
	s1 =	sshrl.u32 s1, $0x2  }
0xc0: {  	s3 =	sand.u32 $0x4000, s31;
	s1 =	sadd.s32 s1, s30  }
0xc1: {  	s0 =	sor.u32 s3, s0;
	s1 =	sshll.u32 s1, $0x11  }
0xc2: {  	s0 =	sor.u32 s1, s0  }
0xc3: {  	s0 =	sadd.s32 $0x8F2B, s0  }
0xc4: {  	[sflag:s0] =	ssyncadd.remote.s32 $0x1  }
0xc5: {  	_ =	sfence.sel $0xFFFF  }
0xc6: {  	[dreg:$0x0] =	wrdreg $0xFFFFFFFF;
	(pc) =	sbr.abs _section_cstart, $3  }
0xc7: {  	[dreg:$0x1] =	wrdreg $0xFFFFFFFF  }
0xc8: {  	_ =	task.clear_ibuf [dreg:s8], $0x2FFFF;
	_ =	strace $0x9FFFFFFF  }
0xc9: {  	(tm) =	ssettm $0x7FFFFFFF  }
tec
execute0_lowered:
.L_overlay_start_1:
0x0: {  	(tag) =	ssettag $0x1  }
0x1: {  	s3 =	rddreg [dreg:$0x0]  }
0x2: {  	s5 =	rddreg [dreg:$0x1]  }
0x3: {  	s4 =	rddreg [dreg:$0x2];
	s1 =	stileid.u32  }
0x4: {  	s0 =	rddreg [dreg:$0x3];
	s6 =	srdreg.scid  }
0x5: {  	s2 =	simm.s32 $0x0;
	s11 =	simm.s32 $0x40;
	s12 =	simm.s32 $0x4000  }
0x6: {  	s13 =	simm.s32 $0x1;
	s14 =	simm.s32 $0x4400;
	s15 =	simm.s32 $0x5400  }
0x7: {  	s16 =	simm.s32 $0x6400;
	s17 =	simm.s32 $0x7400;
	s18 =	simm.s32 $0x0  }
0x8: {  	s7 =	sshll.u32 s1, $0x1;
	s6 =	sand.u32 $0x1, s6;
	[smem:$0x7FF] =	sst s2  }
0x9: {  	s9 =	sshrl.u32 s1, $0x1;
	s7 =	sand.u32 $0x2, s7;
	_ =	strace $0x80000047  }
0xa: {  	s10 =	sshll.u32 s9, $0xD;
	s31 =	sshll.u32 s9, $0x7;
	s7 =	sor.u32 s6, s7  }
0xb: {  	s6 =	ssub.s32 $0x2, s6;
	s5 =	sadd.s32 s5, s31;
	s8 =	sshll.u32 s7, $0x1  }
0xc: {  	s7 =	sshll.u32 s7, $0xB;
	s29 =	sshrl.u32 s6, $0x1;
	s8 =	sadd.s32 s8, s3  }
0xd: {  	s7 =	sor.u32 s10, s7;
	s30 =	ssub.s32 s6, s29;
	s10 =	simm.s32 $0x10  }
0xe: {  	s3 =	sadd.s32 s4, s7;
	s4 =	sadd.s32 $0x1000, s8;
	s9 =	smax.u32 s30, $0x1  }
0xf: {  	s6 =	sadd.s32 $0x200, s3;
	s7 =	sadd.s32 $0x400, s3;
	s8 =	sadd.s32 $0x600, s3  }
.LBB2_1:
0x10: {  	[tilespmem:s2], [sflag:$0x1] =	stream.strided.gather [hbm4b:s4+s10], $0x4000, s11, s10, $0x38;
	[tilespmem:$0x8400] =	vst v63  }
0x11: {  	_ = 	snop  }
0x12: {  	[tilespmem:s12], [sflag:$0x1] =	stream.linear.gather [hbm4b:s5+s2], $0x400, $0x38;
	[tilespmem:$0x8400] =	vst v63  }
0x13: {  	_ =	swait.ge [sflag:s13], $0x4000  }
0x14: {  	[sflag:s13] =	ssyncset.done $0x0  }
0x15: {  	[sflag:s13] =	ssyncadd.s32 $0xFFFFC000  }
0x16: {  	_ =	swait.ge [sflag:s13], $0x400  }
0x17: {  	[sflag:s13] =	ssyncset.done $0x0  }
0x18: {  	s19 =	simm.s32 $0x4020;
	[sflag:s13] =	ssyncadd.s32 $0xFFFFFC00  }
0x19: {  	v0 =	vld [tilespmem:s19+$0x10];
	_ =	sdelay $0x1  }
0x1a: {  	v1 =	vld [tilespmem:s19+$0xFFFFFFF0];
	_ =	sdelay $0x2  }
0x1b: {  	v4 =	vshll.u32 v0, $0x4;
	_ =	sdelay $0x1  }
0x1c: {  	v1 =	vshll.u32 v1, $0x4  }
0x1d: {  	v2 =	vld [tilespmem:s19+$0xFFFFFFE0]  }
0x1e: {  	v3 =	vld [tilespmem:s19+$0x0]  }
0x1f: {  	s20 =	simm.s32 $0x4060;
	v0 =	vld.idx.msk [tilespmem:v4+s2+$0x0], $0xffff  }
0x20: {  	v11 =	vld [tilespmem:s20+$0xFFFFFFF0];
	v5 =	vor.u32 $0x1, v4  }
0x21: {  	v6 =	vld.idx.msk [tilespmem:v1+s2+$0x0], $0xffff  }
0x22: {  	v13 =	vld [tilespmem:s20+$0xFFFFFFE0];
	v2 =	vshll.u32 v2, $0x4  }
0x23: {  	s19 =	simm.s32 $0x4C00;
	v3 =	vshll.u32 v3, $0x4  }
0x24: {  	v15 =	vld [tilespmem:s20+$0x0];
	v7 =	vor.u32 $0x1, v1;
	[tilespmem:s19+$0xFFFFF830] =	vst v0  }
0x25: {  	v16 =	vshll.u32 v11, $0x4;
	v0 =	vld.idx.msk [tilespmem:v5+s2+$0x0], $0xffff  }
0x26: {  	[tilespmem:s19+$0xFFFFF810] =	vst v6;
	v6 =	vld [tilespmem:s20+$0x10];
	v5 =	vor.u32 $0x2, v4  }
0x27: {  	v17 =	vshll.u32 v13, $0x4;
	v8 =	vld.idx.msk [tilespmem:v2+s2+$0x0], $0xffff  }
0x28: {  	v10 =	vor.u32 $0x1, v2;
	v9 =	vld.idx.msk [tilespmem:v3+s2+$0x0], $0xffff  }
0x29: {  	v12 =	vor.u32 $0x1, v3;
	v7 =	vld.idx.msk [tilespmem:v7+s2+$0x0], $0xffff  }
0x2a: {  	v18 =	vshll.u32 v15, $0x4;
	v19 =	vld.idx.msk [tilespmem:v16+s2+$0x0], $0xffff;
	[tilespmem:s19+$0xFFFFFC30] =	vst v0  }
0x2b: {  	v0 =	vshll.u32 v6, $0x4;
	v5 =	vld.idx.msk [tilespmem:v5+s2+$0x0], $0xffff  }
0x2c: {  	v14 =	vor.u32 $0x2, v1;
	v21 =	vld.idx.msk [tilespmem:v17+s2+$0x0], $0xffff;
	[tilespmem:s19+$0xFFFFF800] =	vst v8  }
0x2d: {  	[tilespmem:s19+$0xFFFFF820] =	vst v9;
	v4 =	vor.u32 $0x3, v4;
	v6 =	vld.idx.msk [tilespmem:v10+s2+$0x0], $0xffff  }
0x2e: {  	v22 =	vor.u32 $0x1, v16;
	[tilespmem:s19+$0xFFFFFC10] =	vst v7;
	v7 =	vld.idx.msk [tilespmem:v12+s2+$0x0], $0xffff  }
0x2f: {  	v13 =	vld.idx.msk [tilespmem:v18+s2+$0x0], $0xffff;
	v9 =	vor.u32 $0x2, v2  }
0x30: {  	s20 =	simm.s32 $0x4C40;
	v10 =	vld.idx.msk [tilespmem:v0+s2+$0x0], $0xffff;
	[tilespmem:s19+$0x30] =	vst v5;
	v5 =	vor.u32 $0x2, v3  }
0x31: {  	[tilespmem:s20+$0xFFFFF810] =	vst v19;
	v8 =	vld.idx.msk [tilespmem:v14+s2+$0x0], $0xffff;
	v15 =	vor.u32 $0x1, v0  }
0x32: {  	v20 =	vor.u32 $0x3, v1;
	[tilespmem:s19+$0xFFFFFC00] =	vst v6;
	v14 =	vld.idx.msk [tilespmem:v4+s2+$0x0], $0xffff  }
0x33: {  	[tilespmem:s19+$0xFFFFFC20] =	vst v7;
	v7 =	vor.u32 $0x2, v16;
	v6 =	vor.u32 $0x3, v16;
	v16 =	vld.idx.msk [tilespmem:v22+s2+$0x0], $0xffff  }
0x34: {  	[tilespmem:s20+$0xFFFFF800] =	vst v21;
	v11 =	vld.idx.msk [tilespmem:v9+s2+$0x0], $0xffff  }
0x35: {  	v1 =	vor.u32 $0x3, v2;
	v2 =	vor.u32 $0x3, v3;
	v9 =	vor.u32 $0x1, v18;
	[tilespmem:s20+$0xFFFFF830] =	vst v10;
	v12 =	vld.idx.msk [tilespmem:v5+s2+$0x0], $0xffff  }
0x36: {  	[tilespmem:s19+$0x10] =	vst v8;
	v8 =	vor.u32 $0x2, v17;
	v3 =	vor.u32 $0x3, v17;
	v4 =	vor.u32 $0x2, v18;
	v15 =	vld.idx.msk [tilespmem:v15+s2+$0x0], $0xffff  }
0x37: {  	s21 =	simm.s32 $0x4;
	s22 =	simm.s32 $0x40A0;
	v10 =	vor.u32 $0x1, v17;
	v17 =	vor.u32 $0x2, v0;
	v5 =	vor.u32 $0x3, v18;
	[tilespmem:s19+$0x430] =	vst v14;
	v14 =	vld.idx.msk [tilespmem:v20+s2+$0x0], $0xffff  }
.LBB2_2:
0x38: {  	v18 =	vld [tilespmem:s22+$0x10];
	s21 =	sadd.s32 $0x4, s21;
	[tilespmem:s20+$0xFFFFF820] =	vst v13  }
0x39: {  	v13 =	vld [tilespmem:s22+$0xFFFFFFF0];
	p0 =	slt.u32 s21, $0x3C;
	[tilespmem:s19+$0x0] =	vst v11  }
0x3a: {  	v11 =	vld [tilespmem:s22+$0x0];
	[tilespmem:s19+$0x20] =	vst v12  }
0x3b: {  	v12 =	vld [tilespmem:s22+$0xFFFFFFE0];
	[tilespmem:s20+$0xFFFFFC30] =	vst v15  }
0x3c: {  	v15 =	vld.idx.msk [tilespmem:v17+s2+$0x0], $0xffff;
	[tilespmem:s19+$0x410] =	vst v14  }
0x3d: {  	v14 =	vshll.u32 v18, $0x4;
	v17 =	vld.idx.msk [tilespmem:v10+s2+$0x0], $0xffff;
	[tilespmem:s20+$0xFFFFFC10] =	vst v16  }
0x3e: {  	v18 =	vor.u32 $0x3, v0;
	v13 =	vshll.u32 v13, $0x4;
	v16 =	vld.idx.msk [tilespmem:v9+s2+$0x0], $0xffff;
	v0 =	vmov v14  }
0x3f: {  	v19 =	vor.u32 $0x1, v13;
	v11 =	vshll.u32 v11, $0x4;
	v20 =	vld.idx.msk [tilespmem:v7+s2+$0x0], $0xffff;
	v7 =	vor.u32 $0x2, v13  }
0x40: {  	v12 =	vshll.u32 v12, $0x4;
	v9 =	vor.u32 $0x1, v11;
	v21 =	vor.u32 $0x2, v11;
	v22 =	vld.idx.msk [tilespmem:v1+s2+$0x0], $0xffff;
	v1 =	vmovc v3  }
0x41: {  	v10 =	vor.u32 $0x1, v12;
	v23 =	vor.u32 $0x2, v12;
	v3 =	vor.u32 $0x3, v12;
	v24 =	vld.idx.msk [tilespmem:v2+s2+$0x0], $0xffff;
	v2 =	vmovc v5  }
0x42: {  	v25 =	vor.u32 $0x3, v13;
	v5 =	vor.u32 $0x3, v11;
	v14 =	vld.idx.msk [tilespmem:v14+s2+$0x0], $0xffff;
	[tilespmem:s20+$0x30] =	vst v15  }
0x43: {  	[tilespmem:s20+$0xFFFFFC00] =	vst v17;
	v17 =	vld.idx.msk [tilespmem:v18+s2+$0x0], $0xffff  }
0x44: {  	v15 =	vor.u32 $0x1, v0;
	v18 =	vld.idx.msk [tilespmem:v13+s2+$0x0], $0xffff;
	[tilespmem:s20+$0xFFFFFC20] =	vst v16  }
0x45: {  	v16 =	vld.idx.msk [tilespmem:v12+s2+$0x0], $0xffff;
	[tilespmem:s20+$0x10] =	vst v20  }
0x46: {  	v13 =	vld.idx.msk [tilespmem:v11+s2+$0x0], $0xffff;
	[tilespmem:s19+$0x400] =	vst v22  }
.Ltmp0:
0x47: {  	v11 =	vld.idx.msk [tilespmem:v8+s2+$0x0], $0xffff;
	[tilespmem:s19+$0x420] =	vst v24;
	v8 =	vmov v23;
	s19 =	smov.u32 s20;
	s20 =	sadd.s32 $0x40, s20;
	(pc) =	sbr.rel @p0 .LBB2_2-.Ltmp0, $4  }
0x48: {  	[tilespmem:s20+$0xFFFFF830] =	vst v14;
	v12 =	vld.idx.msk [tilespmem:v4+s2+$0x0], $0xffff;
	v4 =	vmov v21  }
0x49: {  	v15 =	vld.idx.msk [tilespmem:v15+s2+$0x0], $0xffff;
	[tilespmem:s19+$0x430] =	vst v17  }
0x4a: {  	[tilespmem:s20+$0xFFFFF810] =	vst v18;
	v14 =	vld.idx.msk [tilespmem:v6+s2+$0x0], $0xffff;
	v6 =	vmov v25  }
0x4b: {  	s22 =	sadd.s32 $0x40, s22;
	v17 =	vor.u32 $0x2, v0;
	[tilespmem:s20+$0xFFFFF800] =	vst v16;
	v16 =	vld.idx.msk [tilespmem:v19+s2+$0x0], $0xffff  }
0x4c: {  	_ =	sdelay $0x3  }
0x4d: {  	[tilespmem:s20+$0xFFFFF820] =	vst v13;
	v10 =	vld.idx.msk [tilespmem:v10+s2+$0x0], $0xffff  }
0x4e: {  	v9 =	vld.idx.msk [tilespmem:v9+s2+$0x0], $0xffff  }
0x4f: {  	[tilespmem:s19+$0x0] =	vst v11  }
0x50: {  	[tilespmem:s20+$0xFFFFFC30] =	vst v15  }
0x51: {  	v11 =	vld.idx.msk [tilespmem:v17+s2+$0x0], $0xffff;
	[tilespmem:s20+$0xFFFFFC10] =	vst v16  }
0x52: {  	v0 =	vor.u32 $0x3, v0;
	v7 =	vld.idx.msk [tilespmem:v7+s2+$0x0], $0xffff;
	[tilespmem:s20+$0xFFFFFC00] =	vst v10  }
0x53: {  	[tilespmem:s20+$0xFFFFFC20] =	vst v9;
	v8 =	vld.idx.msk [tilespmem:v8+s2+$0x0], $0xffff  }
0x54: {  	[tilespmem:s19+$0x20] =	vst v12;
	v4 =	vld.idx.msk [tilespmem:v4+s2+$0x0], $0xffff  }
0x55: {  	v1 =	vld.idx.msk [tilespmem:v1+s2+$0x0], $0xffff;
	[tilespmem:s19+$0x410] =	vst v14  }
0x56: {  	v2 =	vld.idx.msk [tilespmem:v2+s2+$0x0], $0xffff;
	[tilespmem:s20+$0x30] =	vst v11  }
0x57: {  	v0 =	vld.idx.msk [tilespmem:v0+s2+$0x0], $0xffff;
	[tilespmem:s20+$0x10] =	vst v7  }
0x58: {  	v6 =	vld.idx.msk [tilespmem:v6+s2+$0x0], $0xffff;
	[tilespmem:s20+$0x0] =	vst v8  }
0x59: {  	[tilespmem:s20+$0x20] =	vst v4;
	v3 =	vld.idx.msk [tilespmem:v3+s2+$0x0], $0xffff  }
0x5a: {  	[tilespmem:s19+$0x400] =	vst v1;
	v1 =	vld.idx.msk [tilespmem:v5+s2+$0x0], $0xffff  }
0x5b: {  	[tilespmem:s19+$0x420] =	vst v2  }
0x5c: {  	[tilespmem:s20+$0x430] =	vst v0  }
0x5d: {  	[tilespmem:s20+$0x410] =	vst v6  }
0x5e: {  	[tilespmem:s20+$0x400] =	vst v3  }
0x5f: {  	s30 =	simm.s32 $0x4020;
	[tilespmem:s20+$0x420] =	vst v1  }
0x60: {  	[hbm4b:s3+s2] =	stream.linear.scatter [tilespmem:s14], [sflag:$0x1], $0x1000, $0x38;
	[tilespmem:$0x8400] =	vst v63  }
0x61: {  	v0 =	vld [tilespmem:s30+$0x10];
	_ =	sdelay $0x4  }
0x62: {  	v2 =	vld [tilespmem:s30+$0xFFFFFFE0];
	v3 =	vshll.u32 v0, $0x4  }
0x63: {  	v0 =	vor.u32 $0x4, v3;
	_ =	sdelay $0x2  }
0x64: {  	v1 =	vld [tilespmem:s30+$0xFFFFFFF0]  }
0x65: {  	v4 =	vld [tilespmem:s30+$0x0];
	v2 =	vshll.u32 v2, $0x4  }
0x66: {  	s31 =	simm.s32 $0x4060;
	v6 =	vor.u32 $0x4, v2;
	v0 =	vld.idx.msk [tilespmem:v0+s2+$0x0], $0xffff  }
0x67: {  	v12 =	vld [tilespmem:s31+$0xFFFFFFE0];
	v7 =	vor.u32 $0x5, v3  }
0x68: {  	v10 =	vld [tilespmem:s31+$0xFFFFFFF0]  }
0x69: {  	v1 =	vshll.u32 v1, $0x4  }
0x6a: {  	s19 =	simm.s32 $0x6030;
	v14 =	vld [tilespmem:s31+$0x0];
	v4 =	vshll.u32 v4, $0x4;
	v5 =	vor.u32 $0x4, v1  }
0x6b: {  	v8 =	vor.u32 $0x4, v4;
	v6 =	vld.idx.msk [tilespmem:v6+s2+$0x0], $0xffff;
	[tilespmem:s19+$0xFFFFF400] =	vst v0  }
0x6c: {  	v19 =	vshll.u32 v12, $0x4;
	v0 =	vld.idx.msk [tilespmem:v7+s2+$0x0], $0xffff  }
0x6d: {  	v17 =	vshll.u32 v10, $0x4;
	v10 =	vor.u32 $0x4, v19;
	v7 =	vld [tilespmem:s31+$0x10]  }
0x6e: {  	v9 =	vor.u32 $0x6, v3  }
0x6f: {  	v11 =	vor.u32 $0x5, v2;
	v5 =	vld.idx.msk [tilespmem:v5+s2+$0x0], $0xffff  }
0x70: {  	v13 =	vor.u32 $0x5, v1;
	v8 =	vld.idx.msk [tilespmem:v8+s2+$0x0], $0xffff  }
0x71: {  	v15 =	vor.u32 $0x5, v4;
	[tilespmem:s19+$0xFFFFF3D0] =	vst v6  }
0x72: {  	v20 =	vshll.u32 v14, $0x4;
	v14 =	vld.idx.msk [tilespmem:v10+s2+$0x0], $0xffff;
	v6 =	vor.u32 $0x4, v17;
	[tilespmem:s19+$0xFFFFF800] =	vst v0;
	v0 =	vshll.u32 v7, $0x4  }
0x73: {  	v7 =	vld.idx.msk [tilespmem:v9+s2+$0x0], $0xffff;
	v9 =	vor.u32 $0x4, v0  }
0x74: {  	v3 =	vor.u32 $0x7, v3;
	[tilespmem:s19+$0xFFFFF3E0] =	vst v5;
	v5 =	vld.idx.msk [tilespmem:v11+s2+$0x0], $0xffff  }
0x75: {  	v12 =	vor.u32 $0x4, v20;
	[tilespmem:s19+$0xFFFFF3F0] =	vst v8;
	v8 =	vld.idx.msk [tilespmem:v13+s2+$0x0], $0xffff  }
0x76: {  	v11 =	vld.idx.msk [tilespmem:v15+s2+$0x0], $0xffff;
	v15 =	vor.u32 $0x6, v2  }
0x77: {  	v23 =	vor.u32 $0x6, v4;
	v22 =	vld.idx.msk [tilespmem:v6+s2+$0x0], $0xffff  }
0x78: {  	v9 =	vld.idx.msk [tilespmem:v9+s2+$0x0], $0xffff;
	[tilespmem:s19+$0xFFFFFC00] =	vst v7;
	v7 =	vor.u32 $0x6, v1  }
0x79: {  	[tilespmem:s19+$0xFFFFF7D0] =	vst v5;
	v18 =	vor.u32 $0x5, v0;
	v21 =	vld.idx.msk [tilespmem:v3+s2+$0x0], $0xffff  }
0x7a: {  	v13 =	vld.idx.msk [tilespmem:v12+s2+$0x0], $0xffff;
	[tilespmem:s19+$0xFFFFF7E0] =	vst v8  }
0x7b: {  	s20 =	simm.s32 $0x6070;
	v10 =	vor.u32 $0x5, v17;
	v12 =	vor.u32 $0x5, v19;
	v6 =	vor.u32 $0x6, v17;
	[tilespmem:s19+$0xFFFFF7F0] =	vst v11;
	v15 =	vld.idx.msk [tilespmem:v15+s2+$0x0], $0xffff  }
0x7c: {  	v11 =	vor.u32 $0x5, v20;
	v5 =	vor.u32 $0x6, v20;
	v8 =	vor.u32 $0x7, v17;
	v17 =	vld.idx.msk [tilespmem:v23+s2+$0x0], $0xffff;
	[tilespmem:s20+$0xFFFFF3E0] =	vst v22  }
0x7d: {  	v3 =	vor.u32 $0x7, v2;
	v2 =	vor.u32 $0x7, v1;
	v1 =	vor.u32 $0x7, v4;
	[tilespmem:s20+$0xFFFFF400] =	vst v9;
	v16 =	vld.idx.msk [tilespmem:v7+s2+$0x0], $0xffff  }
0x7e: {  	s21 =	simm.s32 $0x4;
	s22 =	simm.s32 $0x40A0;
	v4 =	vor.u32 $0x7, v20;
	v7 =	vor.u32 $0x6, v19;
	v9 =	vor.u32 $0x7, v19;
	v18 =	vld.idx.msk [tilespmem:v18+s2+$0x0], $0xffff;
	[tilespmem:s19+$0x0] =	vst v21  }
.LBB2_4:
0x7f: {  	v19 =	vld [tilespmem:s22+$0x10];
	s21 =	sadd.s32 $0x4, s21;
	[tilespmem:s20+$0xFFFFF3D0] =	vst v14;
	v14 =	vor.u32 $0x6, v0  }
0x80: {  	v20 =	vld [tilespmem:s22+$0xFFFFFFF0];
	p0 =	slt.u32 s21, $0x3C;
	[tilespmem:s20+$0xFFFFF3F0] =	vst v13  }
0x81: {  	v13 =	vld [tilespmem:s22+$0x0];
	[tilespmem:s19+$0xFFFFFBD0] =	vst v15  }
0x82: {  	v15 =	vld [tilespmem:s22+$0xFFFFFFE0];
	[tilespmem:s19+$0xFFFFFBE0] =	vst v16  }
0x83: {  	v16 =	vld.idx.msk [tilespmem:v12+s2+$0x0], $0xffff;
	[tilespmem:s20+$0xFFFFF800] =	vst v18  }
0x84: {  	v12 =	vshll.u32 v19, $0x4;
	v14 =	vld.idx.msk [tilespmem:v14+s2+$0x0], $0xffff;
	[tilespmem:s19+$0xFFFFFBF0] =	vst v17  }
0x85: {  	v17 =	vshll.u32 v20, $0x4;
	v18 =	vor.u32 $0x4, v12;
	v19 =	vld.idx.msk [tilespmem:v10+s2+$0x0], $0xffff  }
0x86: {  	v22 =	vor.u32 $0x7, v0;
	v0 =	vmovc v12;
	v20 =	vor.u32 $0x4, v17;
	v13 =	vshll.u32 v13, $0x4;
	v21 =	vld.idx.msk [tilespmem:v11+s2+$0x0], $0xffff  }
0x87: {  	v10 =	vor.u32 $0x5, v17;
	v15 =	vshll.u32 v15, $0x4;
	v23 =	vor.u32 $0x4, v13;
	v24 =	vld.idx.msk [tilespmem:v3+s2+$0x0], $0xffff;
	v3 =	vmovc v9  }
0x88: {  	v11 =	vor.u32 $0x5, v13;
	v25 =	vor.u32 $0x4, v15;
	v12 =	vor.u32 $0x5, v15;
	v26 =	vld.idx.msk [tilespmem:v2+s2+$0x0], $0xffff;
	v2 =	vmovc v8  }
0x89: {  	v28 =	vor.u32 $0x6, v17;
	v29 =	vor.u32 $0x6, v13;
	v27 =	vor.u32 $0x6, v15;
	[tilespmem:s20+$0xFFFFF7D0] =	vst v16;
	v16 =	vld.idx.msk [tilespmem:v1+s2+$0x0], $0xffff;
	v1 =	vmovc v4  }
0x8a: {  	v9 =	vor.u32 $0x7, v15;
	v8 =	vor.u32 $0x7, v17;
	v4 =	vor.u32 $0x7, v13;
	v17 =	vld.idx.msk [tilespmem:v18+s2+$0x0], $0xffff;
	[tilespmem:s20+$0xFFFFFC00] =	vst v14  }
0x8b: {  	[tilespmem:s20+$0xFFFFF7E0] =	vst v19;
	v19 =	vld.idx.msk [tilespmem:v22+s2+$0x0], $0xffff  }
0x8c: {  	v18 =	vor.u32 $0x5, v0;
	v20 =	vld.idx.msk [tilespmem:v20+s2+$0x0], $0xffff;
	[tilespmem:s20+$0xFFFFF7F0] =	vst v21  }
0x8d: {  	v14 =	vld.idx.msk [tilespmem:v25+s2+$0x0], $0xffff;
	[tilespmem:s19+$0xFFFFFFD0] =	vst v24  }
.Ltmp1:
0x8e: {  	v13 =	vld.idx.msk [tilespmem:v23+s2+$0x0], $0xffff;
	[tilespmem:s19+$0xFFFFFFE0] =	vst v26;
	(pc) =	sbr.rel @p0 .LBB2_4-.Ltmp1, $4  }
0x8f: {  	v15 =	vld.idx.msk [tilespmem:v7+s2+$0x0], $0xffff;
	[tilespmem:s19+$0xFFFFFFF0] =	vst v16;
	v7 =	vmov v27;
	s19 =	smov.u32 s20;
	s20 =	sadd.s32 $0x40, s20  }
0x90: {  	[tilespmem:s20+$0xFFFFF400] =	vst v17;
	v16 =	vld.idx.msk [tilespmem:v6+s2+$0x0], $0xffff;
	v6 =	vmov v28  }
0x91: {  	v18 =	vld.idx.msk [tilespmem:v18+s2+$0x0], $0xffff;
	[tilespmem:s19+$0x0] =	vst v19  }
0x92: {  	s22 =	sadd.s32 $0x40, s22;
	[tilespmem:s20+$0xFFFFF3E0] =	vst v20;
	v17 =	vld.idx.msk [tilespmem:v5+s2+$0x0], $0xffff;
	v5 =	vmov v29  }
0x93: {  	_ =	sdelay $0x3  }
0x94: {  	[tilespmem:s20+$0xFFFFF3D0] =	vst v14;
	v14 =	vor.u32 $0x6, v0;
	v10 =	vld.idx.msk [tilespmem:v10+s2+$0x0], $0xffff  }
0x95: {  	[tilespmem:s20+$0xFFFFF3F0] =	vst v13;
	v12 =	vld.idx.msk [tilespmem:v12+s2+$0x0], $0xffff  }
0x96: {  	v11 =	vld.idx.msk [tilespmem:v11+s2+$0x0], $0xffff  }
0x97: {  	[tilespmem:s19+$0xFFFFFBD0] =	vst v15  }
0x98: {  	[tilespmem:s20+$0xFFFFF800] =	vst v18  }
0x99: {  	v13 =	vld.idx.msk [tilespmem:v14+s2+$0x0], $0xffff;
	[tilespmem:s20+$0xFFFFF7E0] =	vst v10  }
0x9a: {  	[tilespmem:s20+$0xFFFFF7D0] =	vst v12;
	v6 =	vld.idx.msk [tilespmem:v6+s2+$0x0], $0xffff  }
0x9b: {  	v0 =	vor.u32 $0x7, v0;
	[tilespmem:s20+$0xFFFFF7F0] =	vst v11;
	v7 =	vld.idx.msk [tilespmem:v7+s2+$0x0], $0xffff  }
0x9c: {  	[tilespmem:s19+$0xFFFFFBE0] =	vst v16;
	v5 =	vld.idx.msk [tilespmem:v5+s2+$0x0], $0xffff  }
0x9d: {  	v3 =	vld.idx.msk [tilespmem:v3+s2+$0x0], $0xffff;
	[tilespmem:s19+$0xFFFFFBF0] =	vst v17  }
0x9e: {  	v2 =	vld.idx.msk [tilespmem:v2+s2+$0x0], $0xffff;
	[tilespmem:s20+$0xFFFFFC00] =	vst v13  }
0x9f: {  	v1 =	vld.idx.msk [tilespmem:v1+s2+$0x0], $0xffff;
	[tilespmem:s20+$0xFFFFFBE0] =	vst v6  }
0xa0: {  	v0 =	vld.idx.msk [tilespmem:v0+s2+$0x0], $0xffff;
	[tilespmem:s20+$0xFFFFFBD0] =	vst v7  }
0xa1: {  	[tilespmem:s20+$0xFFFFFBF0] =	vst v5;
	v5 =	vld.idx.msk [tilespmem:v8+s2+$0x0], $0xffff  }
0xa2: {  	[tilespmem:s19+$0xFFFFFFD0] =	vst v3;
	v3 =	vld.idx.msk [tilespmem:v9+s2+$0x0], $0xffff  }
0xa3: {  	[tilespmem:s19+$0xFFFFFFE0] =	vst v2;
	v2 =	vld.idx.msk [tilespmem:v4+s2+$0x0], $0xffff  }
0xa4: {  	[tilespmem:s19+$0xFFFFFFF0] =	vst v1  }
0xa5: {  	[tilespmem:s20+$0x0] =	vst v0  }
0xa6: {  	[tilespmem:s20+$0xFFFFFFE0] =	vst v5  }
0xa7: {  	[tilespmem:s20+$0xFFFFFFD0] =	vst v3  }
0xa8: {  	s30 =	simm.s32 $0x4020;
	[tilespmem:s20+$0xFFFFFFF0] =	vst v2  }
0xa9: {  	[hbm4b:s6+s2] =	stream.linear.scatter [tilespmem:s15], [sflag:$0x1], $0x1000, $0x38;
	[tilespmem:$0x8400] =	vst v63  }
0xaa: {  	v0 =	vld [tilespmem:s30+$0x10];
	_ =	sdelay $0x4  }
0xab: {  	v2 =	vld [tilespmem:s30+$0xFFFFFFE0];
	v3 =	vshll.u32 v0, $0x4  }
0xac: {  	v0 =	vor.u32 $0x8, v3;
	_ =	sdelay $0x2  }
0xad: {  	v1 =	vld [tilespmem:s30+$0xFFFFFFF0]  }
0xae: {  	v4 =	vld [tilespmem:s30+$0x0];
	v2 =	vshll.u32 v2, $0x4  }
0xaf: {  	s31 =	simm.s32 $0x4060;
	v6 =	vor.u32 $0x8, v2;
	v0 =	vld.idx.msk [tilespmem:v0+s2+$0x0], $0xffff  }
0xb0: {  	v12 =	vld [tilespmem:s31+$0xFFFFFFE0];
	v7 =	vor.u32 $0x9, v3  }
0xb1: {  	v10 =	vld [tilespmem:s31+$0xFFFFFFF0]  }
0xb2: {  	v1 =	vshll.u32 v1, $0x4  }
0xb3: {  	s19 =	simm.s32 $0x7030;
	v14 =	vld [tilespmem:s31+$0x0];
	v4 =	vshll.u32 v4, $0x4;
	v5 =	vor.u32 $0x8, v1  }
0xb4: {  	v8 =	vor.u32 $0x8, v4;
	v6 =	vld.idx.msk [tilespmem:v6+s2+$0x0], $0xffff;
	[tilespmem:s19+$0xFFFFF400] =	vst v0  }
0xb5: {  	v19 =	vshll.u32 v12, $0x4;
	v0 =	vld.idx.msk [tilespmem:v7+s2+$0x0], $0xffff  }
0xb6: {  	v17 =	vshll.u32 v10, $0x4;
	v10 =	vor.u32 $0x8, v19;
	v7 =	vld [tilespmem:s31+$0x10]  }
0xb7: {  	v9 =	vor.u32 $0xA, v3  }
0xb8: {  	v11 =	vor.u32 $0x9, v2;
	v5 =	vld.idx.msk [tilespmem:v5+s2+$0x0], $0xffff  }
0xb9: {  	v13 =	vor.u32 $0x9, v1;
	v8 =	vld.idx.msk [tilespmem:v8+s2+$0x0], $0xffff  }
0xba: {  	v15 =	vor.u32 $0x9, v4;
	[tilespmem:s19+$0xFFFFF3D0] =	vst v6  }
0xbb: {  	v20 =	vshll.u32 v14, $0x4;
	v14 =	vld.idx.msk [tilespmem:v10+s2+$0x0], $0xffff;
	v6 =	vor.u32 $0x8, v17;
	[tilespmem:s19+$0xFFFFF800] =	vst v0;
	v0 =	vshll.u32 v7, $0x4  }
0xbc: {  	v7 =	vld.idx.msk [tilespmem:v9+s2+$0x0], $0xffff;
	v9 =	vor.u32 $0x8, v0  }
0xbd: {  	v3 =	vor.u32 $0xB, v3;
	[tilespmem:s19+$0xFFFFF3E0] =	vst v5;
	v5 =	vld.idx.msk [tilespmem:v11+s2+$0x0], $0xffff  }
0xbe: {  	v12 =	vor.u32 $0x8, v20;
	[tilespmem:s19+$0xFFFFF3F0] =	vst v8;
	v8 =	vld.idx.msk [tilespmem:v13+s2+$0x0], $0xffff  }
0xbf: {  	v11 =	vld.idx.msk [tilespmem:v15+s2+$0x0], $0xffff;
	v15 =	vor.u32 $0xA, v2  }
0xc0: {  	v23 =	vor.u32 $0xA, v4;
	v22 =	vld.idx.msk [tilespmem:v6+s2+$0x0], $0xffff  }
0xc1: {  	v9 =	vld.idx.msk [tilespmem:v9+s2+$0x0], $0xffff;
	[tilespmem:s19+$0xFFFFFC00] =	vst v7;
	v7 =	vor.u32 $0xA, v1  }
0xc2: {  	[tilespmem:s19+$0xFFFFF7D0] =	vst v5;
	v18 =	vor.u32 $0x9, v0;
	v21 =	vld.idx.msk [tilespmem:v3+s2+$0x0], $0xffff  }
0xc3: {  	v13 =	vld.idx.msk [tilespmem:v12+s2+$0x0], $0xffff;
	[tilespmem:s19+$0xFFFFF7E0] =	vst v8  }
0xc4: {  	s20 =	simm.s32 $0x7070;
	v10 =	vor.u32 $0x9, v17;
	v12 =	vor.u32 $0x9, v19;
	v6 =	vor.u32 $0xA, v17;
	[tilespmem:s19+$0xFFFFF7F0] =	vst v11;
	v15 =	vld.idx.msk [tilespmem:v15+s2+$0x0], $0xffff  }
0xc5: {  	v11 =	vor.u32 $0x9, v20;
	v5 =	vor.u32 $0xA, v20;
	v8 =	vor.u32 $0xB, v17;
	v17 =	vld.idx.msk [tilespmem:v23+s2+$0x0], $0xffff;
	[tilespmem:s20+$0xFFFFF3E0] =	vst v22  }
0xc6: {  	v3 =	vor.u32 $0xB, v2;
	v2 =	vor.u32 $0xB, v1;
	v1 =	vor.u32 $0xB, v4;
	[tilespmem:s20+$0xFFFFF400] =	vst v9;
	v16 =	vld.idx.msk [tilespmem:v7+s2+$0x0], $0xffff  }
0xc7: {  	s21 =	simm.s32 $0x4;
	s22 =	simm.s32 $0x40A0;
	v4 =	vor.u32 $0xB, v20;
	v7 =	vor.u32 $0xA, v19;
	v9 =	vor.u32 $0xB, v19;
	v18 =	vld.idx.msk [tilespmem:v18+s2+$0x0], $0xffff;
	[tilespmem:s19+$0x0] =	vst v21  }
.LBB2_6:
0xc8: {  	v19 =	vld [tilespmem:s22+$0x10];
	s21 =	sadd.s32 $0x4, s21;
	[tilespmem:s20+$0xFFFFF3D0] =	vst v14;
	v14 =	vor.u32 $0xA, v0  }
0xc9: {  	v20 =	vld [tilespmem:s22+$0xFFFFFFF0];
	p0 =	slt.u32 s21, $0x3C;
	[tilespmem:s20+$0xFFFFF3F0] =	vst v13  }
0xca: {  	v13 =	vld [tilespmem:s22+$0x0];
	[tilespmem:s19+$0xFFFFFBD0] =	vst v15  }
0xcb: {  	v15 =	vld [tilespmem:s22+$0xFFFFFFE0];
	[tilespmem:s19+$0xFFFFFBE0] =	vst v16  }
0xcc: {  	v16 =	vld.idx.msk [tilespmem:v12+s2+$0x0], $0xffff;
	[tilespmem:s20+$0xFFFFF800] =	vst v18  }
0xcd: {  	v12 =	vshll.u32 v19, $0x4;
	v14 =	vld.idx.msk [tilespmem:v14+s2+$0x0], $0xffff;
	[tilespmem:s19+$0xFFFFFBF0] =	vst v17  }
0xce: {  	v17 =	vshll.u32 v20, $0x4;
	v18 =	vor.u32 $0x8, v12;
	v19 =	vld.idx.msk [tilespmem:v10+s2+$0x0], $0xffff  }
0xcf: {  	v22 =	vor.u32 $0xB, v0;
	v0 =	vmovc v12;
	v20 =	vor.u32 $0x8, v17;
	v13 =	vshll.u32 v13, $0x4;
	v21 =	vld.idx.msk [tilespmem:v11+s2+$0x0], $0xffff  }
0xd0: {  	v10 =	vor.u32 $0x9, v17;
	v15 =	vshll.u32 v15, $0x4;
	v23 =	vor.u32 $0x8, v13;
	v24 =	vld.idx.msk [tilespmem:v3+s2+$0x0], $0xffff;
	v3 =	vmovc v9  }
0xd1: {  	v11 =	vor.u32 $0x9, v13;
	v25 =	vor.u32 $0x8, v15;
	v12 =	vor.u32 $0x9, v15;
	v26 =	vld.idx.msk [tilespmem:v2+s2+$0x0], $0xffff;
	v2 =	vmovc v8  }
0xd2: {  	v28 =	vor.u32 $0xA, v17;
	v29 =	vor.u32 $0xA, v13;
	v27 =	vor.u32 $0xA, v15;
	[tilespmem:s20+$0xFFFFF7D0] =	vst v16;
	v16 =	vld.idx.msk [tilespmem:v1+s2+$0x0], $0xffff;
	v1 =	vmovc v4  }
0xd3: {  	v9 =	vor.u32 $0xB, v15;
	v8 =	vor.u32 $0xB, v17;
	v4 =	vor.u32 $0xB, v13;
	v17 =	vld.idx.msk [tilespmem:v18+s2+$0x0], $0xffff;
	[tilespmem:s20+$0xFFFFFC00] =	vst v14  }
0xd4: {  	[tilespmem:s20+$0xFFFFF7E0] =	vst v19;
	v19 =	vld.idx.msk [tilespmem:v22+s2+$0x0], $0xffff  }
0xd5: {  	v18 =	vor.u32 $0x9, v0;
	v20 =	vld.idx.msk [tilespmem:v20+s2+$0x0], $0xffff;
	[tilespmem:s20+$0xFFFFF7F0] =	vst v21  }
0xd6: {  	v14 =	vld.idx.msk [tilespmem:v25+s2+$0x0], $0xffff;
	[tilespmem:s19+$0xFFFFFFD0] =	vst v24  }
.Ltmp2:
0xd7: {  	v13 =	vld.idx.msk [tilespmem:v23+s2+$0x0], $0xffff;
	[tilespmem:s19+$0xFFFFFFE0] =	vst v26;
	(pc) =	sbr.rel @p0 .LBB2_6-.Ltmp2, $4  }
0xd8: {  	v15 =	vld.idx.msk [tilespmem:v7+s2+$0x0], $0xffff;
	[tilespmem:s19+$0xFFFFFFF0] =	vst v16;
	v7 =	vmov v27;
	s19 =	smov.u32 s20;
	s20 =	sadd.s32 $0x40, s20  }
0xd9: {  	[tilespmem:s20+$0xFFFFF400] =	vst v17;
	v16 =	vld.idx.msk [tilespmem:v6+s2+$0x0], $0xffff;
	v6 =	vmov v28  }
0xda: {  	v18 =	vld.idx.msk [tilespmem:v18+s2+$0x0], $0xffff;
	[tilespmem:s19+$0x0] =	vst v19  }
0xdb: {  	s22 =	sadd.s32 $0x40, s22;
	[tilespmem:s20+$0xFFFFF3E0] =	vst v20;
	v17 =	vld.idx.msk [tilespmem:v5+s2+$0x0], $0xffff;
	v5 =	vmov v29  }
0xdc: {  	_ =	sdelay $0x3  }
0xdd: {  	[tilespmem:s20+$0xFFFFF3D0] =	vst v14;
	v14 =	vor.u32 $0xA, v0;
	v10 =	vld.idx.msk [tilespmem:v10+s2+$0x0], $0xffff  }
0xde: {  	[tilespmem:s20+$0xFFFFF3F0] =	vst v13;
	v12 =	vld.idx.msk [tilespmem:v12+s2+$0x0], $0xffff  }
0xdf: {  	v11 =	vld.idx.msk [tilespmem:v11+s2+$0x0], $0xffff  }
0xe0: {  	[tilespmem:s19+$0xFFFFFBD0] =	vst v15  }
0xe1: {  	[tilespmem:s20+$0xFFFFF800] =	vst v18  }
0xe2: {  	v13 =	vld.idx.msk [tilespmem:v14+s2+$0x0], $0xffff;
	[tilespmem:s20+$0xFFFFF7E0] =	vst v10  }
0xe3: {  	[tilespmem:s20+$0xFFFFF7D0] =	vst v12;
	v6 =	vld.idx.msk [tilespmem:v6+s2+$0x0], $0xffff  }
0xe4: {  	v0 =	vor.u32 $0xB, v0;
	[tilespmem:s20+$0xFFFFF7F0] =	vst v11;
	v7 =	vld.idx.msk [tilespmem:v7+s2+$0x0], $0xffff  }
0xe5: {  	[tilespmem:s19+$0xFFFFFBE0] =	vst v16;
	v5 =	vld.idx.msk [tilespmem:v5+s2+$0x0], $0xffff  }
0xe6: {  	v3 =	vld.idx.msk [tilespmem:v3+s2+$0x0], $0xffff;
	[tilespmem:s19+$0xFFFFFBF0] =	vst v17  }
0xe7: {  	v2 =	vld.idx.msk [tilespmem:v2+s2+$0x0], $0xffff;
	[tilespmem:s20+$0xFFFFFC00] =	vst v13  }
0xe8: {  	v1 =	vld.idx.msk [tilespmem:v1+s2+$0x0], $0xffff;
	[tilespmem:s20+$0xFFFFFBE0] =	vst v6  }
0xe9: {  	v0 =	vld.idx.msk [tilespmem:v0+s2+$0x0], $0xffff;
	[tilespmem:s20+$0xFFFFFBD0] =	vst v7  }
0xea: {  	[tilespmem:s20+$0xFFFFFBF0] =	vst v5;
	v5 =	vld.idx.msk [tilespmem:v8+s2+$0x0], $0xffff  }
0xeb: {  	[tilespmem:s19+$0xFFFFFFD0] =	vst v3;
	v3 =	vld.idx.msk [tilespmem:v9+s2+$0x0], $0xffff  }
0xec: {  	[tilespmem:s19+$0xFFFFFFE0] =	vst v2;
	v2 =	vld.idx.msk [tilespmem:v4+s2+$0x0], $0xffff  }
0xed: {  	[tilespmem:s19+$0xFFFFFFF0] =	vst v1  }
0xee: {  	[tilespmem:s20+$0x0] =	vst v0  }
0xef: {  	[tilespmem:s20+$0xFFFFFFE0] =	vst v5  }
0xf0: {  	[tilespmem:s20+$0xFFFFFFD0] =	vst v3  }
0xf1: {  	s30 =	simm.s32 $0x4020;
	[tilespmem:s20+$0xFFFFFFF0] =	vst v2  }
0xf2: {  	[hbm4b:s7+s2] =	stream.linear.scatter [tilespmem:s16], [sflag:$0x1], $0x1000, $0x38;
	[tilespmem:$0x8400] =	vst v63  }
0xf3: {  	v0 =	vld [tilespmem:s30+$0x10];
	_ =	sdelay $0x4  }
0xf4: {  	v2 =	vld [tilespmem:s30+$0xFFFFFFE0];
	v3 =	vshll.u32 v0, $0x4  }
0xf5: {  	v0 =	vor.u32 $0xC, v3;
	_ =	sdelay $0x2  }
0xf6: {  	v1 =	vld [tilespmem:s30+$0xFFFFFFF0]  }
0xf7: {  	v4 =	vld [tilespmem:s30+$0x0];
	v2 =	vshll.u32 v2, $0x4  }
0xf8: {  	s31 =	simm.s32 $0x4060;
	v6 =	vor.u32 $0xC, v2;
	v0 =	vld.idx.msk [tilespmem:v0+s2+$0x0], $0xffff  }
0xf9: {  	v12 =	vld [tilespmem:s31+$0xFFFFFFE0];
	v7 =	vor.u32 $0xD, v3  }
0xfa: {  	v10 =	vld [tilespmem:s31+$0xFFFFFFF0]  }
0xfb: {  	v1 =	vshll.u32 v1, $0x4  }
0xfc: {  	s19 =	simm.s32 $0x8030;
	v14 =	vld [tilespmem:s31+$0x0];
	v4 =	vshll.u32 v4, $0x4;
	v5 =	vor.u32 $0xC, v1  }
0xfd: {  	v8 =	vor.u32 $0xC, v4;
	v6 =	vld.idx.msk [tilespmem:v6+s2+$0x0], $0xffff;
	[tilespmem:s19+$0xFFFFF400] =	vst v0  }
0xfe: {  	v19 =	vshll.u32 v12, $0x4;
	v0 =	vld.idx.msk [tilespmem:v7+s2+$0x0], $0xffff  }
0xff: {  	v17 =	vshll.u32 v10, $0x4;
	v10 =	vor.u32 $0xC, v19;
	v7 =	vld [tilespmem:s31+$0x10]  }
0x100: {  	v9 =	vor.u32 $0xE, v3  }
0x101: {  	v11 =	vor.u32 $0xD, v2;
	v5 =	vld.idx.msk [tilespmem:v5+s2+$0x0], $0xffff  }
0x102: {  	v13 =	vor.u32 $0xD, v1;
	v8 =	vld.idx.msk [tilespmem:v8+s2+$0x0], $0xffff  }
0x103: {  	v15 =	vor.u32 $0xD, v4;
	[tilespmem:s19+$0xFFFFF3D0] =	vst v6  }
0x104: {  	v20 =	vshll.u32 v14, $0x4;
	v14 =	vld.idx.msk [tilespmem:v10+s2+$0x0], $0xffff;
	v6 =	vor.u32 $0xC, v17;
	[tilespmem:s19+$0xFFFFF800] =	vst v0;
	v0 =	vshll.u32 v7, $0x4  }
0x105: {  	v7 =	vld.idx.msk [tilespmem:v9+s2+$0x0], $0xffff;
	v9 =	vor.u32 $0xC, v0  }
0x106: {  	v3 =	vor.u32 $0xF, v3;
	[tilespmem:s19+$0xFFFFF3E0] =	vst v5;
	v5 =	vld.idx.msk [tilespmem:v11+s2+$0x0], $0xffff  }
0x107: {  	v12 =	vor.u32 $0xC, v20;
	[tilespmem:s19+$0xFFFFF3F0] =	vst v8;
	v8 =	vld.idx.msk [tilespmem:v13+s2+$0x0], $0xffff  }
0x108: {  	v11 =	vld.idx.msk [tilespmem:v15+s2+$0x0], $0xffff;
	v15 =	vor.u32 $0xE, v2  }
0x109: {  	v23 =	vor.u32 $0xE, v4;
	v22 =	vld.idx.msk [tilespmem:v6+s2+$0x0], $0xffff  }
0x10a: {  	v9 =	vld.idx.msk [tilespmem:v9+s2+$0x0], $0xffff;
	[tilespmem:s19+$0xFFFFFC00] =	vst v7;
	v7 =	vor.u32 $0xE, v1  }
0x10b: {  	[tilespmem:s19+$0xFFFFF7D0] =	vst v5;
	v18 =	vor.u32 $0xD, v0;
	v21 =	vld.idx.msk [tilespmem:v3+s2+$0x0], $0xffff  }
0x10c: {  	v13 =	vld.idx.msk [tilespmem:v12+s2+$0x0], $0xffff;
	[tilespmem:s19+$0xFFFFF7E0] =	vst v8  }
0x10d: {  	s20 =	simm.s32 $0x8070;
	v10 =	vor.u32 $0xD, v17;
	v12 =	vor.u32 $0xD, v19;
	v6 =	vor.u32 $0xE, v17;
	[tilespmem:s19+$0xFFFFF7F0] =	vst v11;
	v15 =	vld.idx.msk [tilespmem:v15+s2+$0x0], $0xffff  }
0x10e: {  	v11 =	vor.u32 $0xD, v20;
	v5 =	vor.u32 $0xE, v20;
	v8 =	vor.u32 $0xF, v17;
	v17 =	vld.idx.msk [tilespmem:v23+s2+$0x0], $0xffff;
	[tilespmem:s20+$0xFFFFF3E0] =	vst v22  }
0x10f: {  	v3 =	vor.u32 $0xF, v2;
	v2 =	vor.u32 $0xF, v1;
	v1 =	vor.u32 $0xF, v4;
	[tilespmem:s20+$0xFFFFF400] =	vst v9;
	v16 =	vld.idx.msk [tilespmem:v7+s2+$0x0], $0xffff  }
0x110: {  	s21 =	simm.s32 $0x4;
	s22 =	simm.s32 $0x40A0;
	v4 =	vor.u32 $0xF, v20;
	v7 =	vor.u32 $0xE, v19;
	v9 =	vor.u32 $0xF, v19;
	v18 =	vld.idx.msk [tilespmem:v18+s2+$0x0], $0xffff;
	[tilespmem:s19+$0x0] =	vst v21  }
.LBB2_8:
0x111: {  	v19 =	vld [tilespmem:s22+$0x10];
	s21 =	sadd.s32 $0x4, s21;
	[tilespmem:s20+$0xFFFFF3D0] =	vst v14;
	v14 =	vor.u32 $0xE, v0  }
0x112: {  	v20 =	vld [tilespmem:s22+$0xFFFFFFF0];
	p0 =	slt.u32 s21, $0x3C;
	[tilespmem:s20+$0xFFFFF3F0] =	vst v13  }
0x113: {  	v13 =	vld [tilespmem:s22+$0x0];
	[tilespmem:s19+$0xFFFFFBD0] =	vst v15  }
0x114: {  	v15 =	vld [tilespmem:s22+$0xFFFFFFE0];
	[tilespmem:s19+$0xFFFFFBE0] =	vst v16  }
0x115: {  	v16 =	vld.idx.msk [tilespmem:v12+s2+$0x0], $0xffff;
	[tilespmem:s20+$0xFFFFF800] =	vst v18  }
0x116: {  	v12 =	vshll.u32 v19, $0x4;
	v14 =	vld.idx.msk [tilespmem:v14+s2+$0x0], $0xffff;
	[tilespmem:s19+$0xFFFFFBF0] =	vst v17  }
0x117: {  	v17 =	vshll.u32 v20, $0x4;
	v18 =	vor.u32 $0xC, v12;
	v19 =	vld.idx.msk [tilespmem:v10+s2+$0x0], $0xffff  }
0x118: {  	v22 =	vor.u32 $0xF, v0;
	v0 =	vmovc v12;
	v20 =	vor.u32 $0xC, v17;
	v13 =	vshll.u32 v13, $0x4;
	v21 =	vld.idx.msk [tilespmem:v11+s2+$0x0], $0xffff  }
0x119: {  	v10 =	vor.u32 $0xD, v17;
	v15 =	vshll.u32 v15, $0x4;
	v23 =	vor.u32 $0xC, v13;
	v24 =	vld.idx.msk [tilespmem:v3+s2+$0x0], $0xffff;
	v3 =	vmovc v9  }
0x11a: {  	v11 =	vor.u32 $0xD, v13;
	v25 =	vor.u32 $0xC, v15;
	v12 =	vor.u32 $0xD, v15;
	v26 =	vld.idx.msk [tilespmem:v2+s2+$0x0], $0xffff;
	v2 =	vmovc v8  }
0x11b: {  	v28 =	vor.u32 $0xE, v17;
	v29 =	vor.u32 $0xE, v13;
	v27 =	vor.u32 $0xE, v15;
	[tilespmem:s20+$0xFFFFF7D0] =	vst v16;
	v16 =	vld.idx.msk [tilespmem:v1+s2+$0x0], $0xffff;
	v1 =	vmovc v4  }
0x11c: {  	v9 =	vor.u32 $0xF, v15;
	v8 =	vor.u32 $0xF, v17;
	v4 =	vor.u32 $0xF, v13;
	v17 =	vld.idx.msk [tilespmem:v18+s2+$0x0], $0xffff;
	[tilespmem:s20+$0xFFFFFC00] =	vst v14  }
0x11d: {  	[tilespmem:s20+$0xFFFFF7E0] =	vst v19;
	v19 =	vld.idx.msk [tilespmem:v22+s2+$0x0], $0xffff  }
0x11e: {  	v18 =	vor.u32 $0xD, v0;
	v20 =	vld.idx.msk [tilespmem:v20+s2+$0x0], $0xffff;
	[tilespmem:s20+$0xFFFFF7F0] =	vst v21  }
0x11f: {  	v14 =	vld.idx.msk [tilespmem:v25+s2+$0x0], $0xffff;
	[tilespmem:s19+$0xFFFFFFD0] =	vst v24  }
.Ltmp3:
0x120: {  	v13 =	vld.idx.msk [tilespmem:v23+s2+$0x0], $0xffff;
	[tilespmem:s19+$0xFFFFFFE0] =	vst v26;
	(pc) =	sbr.rel @p0 .LBB2_8-.Ltmp3, $4  }
0x121: {  	v15 =	vld.idx.msk [tilespmem:v7+s2+$0x0], $0xffff;
	[tilespmem:s19+$0xFFFFFFF0] =	vst v16;
	v7 =	vmov v27;
	s19 =	smov.u32 s20;
	s20 =	sadd.s32 $0x40, s20  }
0x122: {  	[tilespmem:s20+$0xFFFFF400] =	vst v17;
	v16 =	vld.idx.msk [tilespmem:v6+s2+$0x0], $0xffff;
	v6 =	vmov v28  }
0x123: {  	v18 =	vld.idx.msk [tilespmem:v18+s2+$0x0], $0xffff;
	[tilespmem:s19+$0x0] =	vst v19  }
0x124: {  	s22 =	sadd.s32 $0x40, s22;
	[tilespmem:s20+$0xFFFFF3E0] =	vst v20;
	v17 =	vld.idx.msk [tilespmem:v5+s2+$0x0], $0xffff;
	v5 =	vmov v29  }
0x125: {  	_ =	sdelay $0x3  }
0x126: {  	[tilespmem:s20+$0xFFFFF3D0] =	vst v14;
	v58 =	vor.u32 $0xE, v0;
	v10 =	vld.idx.msk [tilespmem:v10+s2+$0x0], $0xffff  }
0x127: {  	[tilespmem:s20+$0xFFFFF3F0] =	vst v13;
	v12 =	vld.idx.msk [tilespmem:v12+s2+$0x0], $0xffff  }
0x128: {  	[tilespmem:s19+$0xFFFFFBD0] =	vst v15;
	v11 =	vld.idx.msk [tilespmem:v11+s2+$0x0], $0xffff  }
0x129: {  	[tilespmem:s19+$0xFFFFFBE0] =	vst v16  }
0x12a: {  	v3 =	vld.idx.msk [tilespmem:v3+s2+$0x0], $0xffff;
	[tilespmem:s20+$0xFFFFF800] =	vst v18  }
0x12b: {  	v59 =	vld.idx.msk [tilespmem:v58+s2+$0x0], $0xffff;
	[tilespmem:s20+$0xFFFFF7E0] =	vst v10  }
0x12c: {  	v60 =	vor.u32 $0xF, v0;
	[tilespmem:s20+$0xFFFFF7D0] =	vst v12;
	v6 =	vld.idx.msk [tilespmem:v6+s2+$0x0], $0xffff  }
0x12d: {  	[tilespmem:s20+$0xFFFFF7F0] =	vst v11;
	v7 =	vld.idx.msk [tilespmem:v7+s2+$0x0], $0xffff  }
0x12e: {  	[tilespmem:s19+$0xFFFFFBF0] =	vst v17;
	v5 =	vld.idx.msk [tilespmem:v5+s2+$0x0], $0xffff  }
0x12f: {  	v2 =	vld.idx.msk [tilespmem:v2+s2+$0x0], $0xffff;
	[tilespmem:s19+$0xFFFFFFD0] =	vst v3  }
0x130: {  	v1 =	vld.idx.msk [tilespmem:v1+s2+$0x0], $0xffff;
	[tilespmem:s20+$0xFFFFFC00] =	vst v59  }
0x131: {  	v0 =	vld.idx.msk [tilespmem:v60+s2+$0x0], $0xffff;
	[tilespmem:s20+$0xFFFFFBE0] =	vst v6  }
0x132: {  	[tilespmem:s20+$0xFFFFFBD0] =	vst v7;
	v62 =	vld.idx.msk [tilespmem:v8+s2+$0x0], $0xffff  }
0x133: {  	[tilespmem:s20+$0xFFFFFBF0] =	vst v5;
	v61 =	vld.idx.msk [tilespmem:v9+s2+$0x0], $0xffff  }
0x134: {  	[tilespmem:s19+$0xFFFFFFE0] =	vst v2;
	v63 =	vld.idx.msk [tilespmem:v4+s2+$0x0], $0xffff  }
0x135: {  	[tilespmem:s19+$0xFFFFFFF0] =	vst v1  }
0x136: {  	[tilespmem:s20+$0x0] =	vst v0  }
0x137: {  	[tilespmem:s20+$0xFFFFFFE0] =	vst v62  }
0x138: {  	[tilespmem:s20+$0xFFFFFFD0] =	vst v61  }
0x139: {  	[tilespmem:s20+$0xFFFFFFF0] =	vst v63  }
0x13a: {  	[hbm4b:s8+s2] =	stream.linear.scatter [tilespmem:s17], [sflag:$0x1], $0x1000, $0x38;
	[tilespmem:$0x8400] =	vst v63  }
0x13b: {  	_ =	swait.ge [sflag:s13], $0x1000  }
0x13c: {  	[sflag:s13] =	ssyncset.done $0x0  }
0x13d: {  	[sflag:s13] =	ssyncadd.s32 $0xFFFFF000  }
0x13e: {  	_ =	swait.ge [sflag:s13], $0x1000  }
0x13f: {  	[sflag:s13] =	ssyncset.done $0x0  }
0x140: {  	s18 =	sadd.s32 $0x1, s18;
	[sflag:s13] =	ssyncadd.s32 $0xFFFFF000  }
0x141: {  	p0 =	sne.s32 s18, s9;
	_ =	swait.ge [sflag:s13], $0x1000  }
.Ltmp4:
0x142: {  	[sflag:s13] =	ssyncset.done $0x0;
	(pc) =	sbr.rel @p0 .LBB2_1-.Ltmp4, $4  }
0x143: {  	[sflag:s13] =	ssyncadd.s32 $0xFFFFF000  }
0x144: {  	_ =	swait.ge [sflag:s13], $0x1000  }
0x145: {  	[sflag:s13] =	ssyncset.done $0x0  }
0x146: {  	[sflag:s13] =	ssyncadd.s32 $0xFFFFF000  }
0x147: {  	_ =	sfence.sel $0x180000  }
0x148: {  	[bflag:$0x0] =	sbarrier.arrive $0xFFFF  }
0x149: {  	p0 =	sne.s32 s1, $0x0;
	_ =	strace $0x90000047  }
0x14a: {  	s0 =	sadd.s32 @!p0 $0x100000, s0;
	[bflag:$0x2] =	sbarrier.arrive $0xFFFF  }
0x14b: {  	[sflag:s0] =	ssyncadd.tile.s32 @!p0 $0x1;
	_ =	shalt  }
.Lfunc_end2:
_tile_overlayer_lowered:
.L_overlay_start_2:
0x14c: {  	(tag) =	ssettag $0x2  }
0x14d: {  	s0 =	rddreg [dreg:$0x0];
	s2 =	stileid.u32  }
0x14e: {  	s1 =	rddreg [dreg:$0x1];
	p0 =	sne.s32 s2, $0x0  }
0x14f: {  	s3 =	rddreg [dreg:$0x2];
	[bflag:$0x3] =	sbarrier.arrive $0xFFFF;
	s2 =	simm.s32 @!p0 $0x1C02  }
0x150: {  	[timem:s3], [sflag:s2] =	dma.local @!p0 [hbm:s0], s1  }
0x151: {  	s0 =	simm.s32 @!p0 $0x2  }
0x152: {  	_ =	swait.ge @!p0 [sflag:s0], s1  }
0x153: {  	s1 =	ssub.s32 @!p0 $0x0, s1;
	[sflag:s0] =	ssyncset.done @!p0 $0x0  }
0x154: {  	[sflag:s0] =	ssyncadd.s32 @!p0 s1  }
0x155: {  	[bflag:$0x3] =	sbarrier.arrive $0xFFFF  }
0x156: {  	_ =	shalt  }

// kernel: kernel.9.cloned.1.call-start
scs
__scs_entry_jumppad:
0x0: {  	(pc) =	sbr.rel $0x88, $3  }
0x1: {  	(tag) =	ssettag $0x0;
	lr =	simm.s32 $0x1  }
0x2: {  	[smem:$0x3F9F] =	sst lr;
	_ =	strace $0xD0000000  }
0x3: {  	_ = 	snop  }
0x4: {  	_ = 	snop  }
0x5: {  	_ = 	snop  }
0x6: {  	_ = 	snop  }
0x7: {  	_ = 	snop  }
__scs_overlays_trampoline_lowered:
0x8: {  	[smem:$0x3FAE] =	sst s0  }
0x9: {  	[smem:$0x3FAF] =	sst s1  }
0xa: {  	[smem:$0x3FB0] =	sst s2  }
0xb: {  	[smem:$0x3FB1] =	sst s3  }
0xc: {  	[smem:$0x3FB2] =	sst s4  }
0xd: {  	[smem:$0x3FB3] =	sst s5  }
0xe: {  	[smem:$0x3FB4] =	sst s6  }
0xf: {  	[smem:$0x3FB5] =	sst s7  }
0x10: {  	[smem:$0x3FB6] =	sst s8  }
0x11: {  	[smem:$0x3FB7] =	sst s9;
	s0 =	simm.s32 @!p0 $0x0  }
0x12: {  	s1 =	sld [smem:$0x3F9D];
	s0 =	simm.s32 @p0 $0x1  }
0x13: {  	[smem:$0x3FB8] =	sst s0;
	s0 =	simm.s32 @!p1 $0x0  }
0x14: {  	s2 =	sld [smem:$0x3F9C];
	s0 =	simm.s32 @p1 $0x1  }
0x15: {  	[smem:$0x3FB9] =	sst s0;
	s0 =	simm.s32 @!p2 $0x0  }
0x16: {  	s3 =	sld [smem:$0x3FDB];
	s0 =	simm.s32 @p2 $0x1  }
0x17: {  	s4 =	simm.s32 $0x1BF5;
	[smem:$0x3FBB] =	sst s0  }
0x18: {  	s0 =	sld [smem:$0x3F9E];
	_ =	swait.ge [sflag:s4], $0x0  }
0x19: {  	s7 =	sld [smem:$0x3F9F]  }
0x1a: {  	s8 =	sadd.s32 $0xFFFFE003, lr  }
0x1b: {  	s9 =	sadd.s32 $0xFFFFFEF7, lr;
	s5 =	simm.s32 $0xFFFFFFFF;
	p2 =	slt.u32 s8, $0xFFFFF086  }
0x1c: {  	p1 =	slt.u32 s9, $0xF7A;
	s5 =	simm.s32 @!p2 $0x0  }
0x1d: {  	s5 =	simm.s32 @p1 $0x1;
	p0 =	seq.s32 s7, s2  }
0x1e: {  	s7 =	smul.u32 @!p0 $0xF7A, s2;
	p2 =	seq.s32 @!p0 s5, $0x0  }
0x1f: {  	s9 =	smul.u32 $0xF7A, s1;
	s8 =	simm.s32 @!p0 $0x1BF5;
	p2 =	por !p2, p0  }
0x20: {  	[sflag:s8] =	ssyncset.s32 @!p0 $0xFFFFF086;
	s6 =	sadd.s32 @!p0 s3, s7;
	s7 =	simm.s32 @!p0 $0x108  }
0x21: {  	s3 =	sadd.s32 s3, s9;
	s6 =	sadd.s32 @!p0 $0x88, s6;
	s7 =	simm.s32 @p2 $0x1082  }
0x22: {  	[simem:s7], [sflag:s8] =	dma.local @!p0 [hbm:s6], $0xF7A  }
0x23: {  	s9 =	sor.u32 $0xD0000000, s2;
	s6 =	simm.s32 $0x108;
	_ =	swait.ge @!p0 [sflag:s8], $0x0  }
0x24: {  	s3 =	sadd.s32 $0x88, s3;
	s6 =	simm.s32 @!p1 $0x1082;
	[sflag:s4] =	ssyncset.s32 $0xFFFFF086  }
0x25: {  	[simem:s6], [sflag:s4] =	dma.local [hbm:s3], $0xF7A  }
0x26: {  	[smem:$0x3F9F] =	sst s1;
	(tag) =	ssettag s2;
	_ =	strace s9  }
0x27: {  	s1 =	sld [smem:$0x3FAF]  }
0x28: {  	s2 =	sld [smem:$0x3FB0]  }
0x29: {  	s4 =	sld [smem:$0x3FB2]  }
0x2a: {  	p0 =	seq.s32 s5, $0x0;
	s5 =	sld [smem:$0x3FB3]  }
0x2b: {  	s6 =	sld [smem:$0x3FB4]  }
0x2c: {  	s7 =	sld [smem:$0x3FB5]  }
0x2d: {  	s3 =	simm.s32 $0x108;
	s8 =	sld [smem:$0x3FB6]  }
0x2e: {  	s3 =	simm.s32 @!p0 $0x1082;
	s9 =	sld [smem:$0x3FB7]  }
0x2f: {  	lr =	sadd.s32 s0, s3;
	s0 =	sld [smem:$0x3FAE]  }
0x30: {  	s3 =	sld [smem:$0x3FB1]  }
0x31: {  	[smem:$0x3FBA] =	sst s10  }
0x32: {  	s10 =	sld [smem:$0x3FB8];
	_ =	sdelay $0x3  }
0x33: {  	p0 =	seq.s32 s10, $0x1;
	s10 =	sld [smem:$0x3FBA];
	_ =	sdelay $0x3  }
0x34: {  	[smem:$0x3FBA] =	sst s10  }
0x35: {  	s10 =	sld [smem:$0x3FB9];
	_ =	sdelay $0x3  }
0x36: {  	p1 =	seq.s32 s10, $0x1;
	s10 =	sld [smem:$0x3FBA];
	_ =	sdelay $0x3  }
0x37: {  	[smem:$0x3FBA] =	sst s10  }
0x38: {  	s10 =	sld [smem:$0x3FBB]  }
0x39: {  	_ = 	snop;
	(pc) =	sbr.ind lr, $3  }
0x3a: {  	_ = 	snop  }
0x3b: {  	_ = 	snop  }
0x3c: {  	p2 =	seq.s32 s10, $0x1;
	s10 =	sld [smem:$0x3FBA]  }
0x3d: {  	_ =	shalt  }
0x3e: {  	_ =	shalt  }
0x3f: {  	_ =	shalt  }
0x40: {  	_ =	shalt  }
0x41: {  	_ =	shalt  }
0x42: {  	_ =	shalt  }
0x43: {  	_ =	shalt  }
0x44: {  	_ =	shalt  }
0x45: {  	_ =	shalt  }
0x46: {  	_ =	shalt  }
0x47: {  	_ =	shalt  }
0x48: {  	_ =	shalt  }
0x49: {  	_ =	shalt  }
0x4a: {  	_ =	shalt  }
0x4b: {  	_ =	shalt  }
0x4c: {  	_ =	shalt  }
0x4d: {  	_ =	shalt  }
0x4e: {  	_ =	shalt  }
0x4f: {  	_ =	shalt  }
0x50: {  	_ =	shalt  }
0x51: {  	_ =	shalt  }
0x52: {  	_ =	shalt  }
0x53: {  	_ =	shalt  }
0x54: {  	_ =	shalt  }
0x55: {  	_ =	shalt  }
0x56: {  	_ =	shalt  }
0x57: {  	_ =	shalt  }
0x58: {  	_ =	shalt  }
0x59: {  	_ =	shalt  }
0x5a: {  	_ =	shalt  }
0x5b: {  	_ =	shalt  }
0x5c: {  	_ =	shalt  }
0x5d: {  	_ =	shalt  }
0x5e: {  	_ =	shalt  }
0x5f: {  	_ =	shalt  }
0x60: {  	_ =	shalt  }
0x61: {  	_ =	shalt  }
0x62: {  	_ =	shalt  }
0x63: {  	_ =	shalt  }
0x64: {  	_ =	shalt  }
0x65: {  	_ =	shalt  }
0x66: {  	_ =	shalt  }
0x67: {  	_ =	shalt  }
0x68: {  	_ =	shalt  }
0x69: {  	_ =	shalt  }
0x6a: {  	_ =	shalt  }
0x6b: {  	_ =	shalt  }
0x6c: {  	_ =	shalt  }
0x6d: {  	_ =	shalt  }
0x6e: {  	_ =	shalt  }
0x6f: {  	_ =	shalt  }
0x70: {  	_ =	shalt  }
0x71: {  	_ =	shalt  }
0x72: {  	_ =	shalt  }
0x73: {  	_ =	shalt  }
0x74: {  	_ =	shalt  }
0x75: {  	_ =	shalt  }
0x76: {  	_ =	shalt  }
0x77: {  	_ =	shalt  }
0x78: {  	_ =	shalt  }
0x79: {  	_ =	shalt  }
0x7a: {  	_ =	shalt  }
0x7b: {  	_ =	shalt  }
0x7c: {  	_ =	shalt  }
0x7d: {  	_ =	shalt  }
0x7e: {  	_ =	shalt  }
0x7f: {  	_ =	shalt  }
0x80: {  	_ =	shalt  }
0x81: {  	_ =	shalt  }
0x82: {  	_ =	shalt  }
0x83: {  	_ =	shalt  }
0x84: {  	_ =	shalt  }
0x85: {  	_ =	shalt  }
0x86: {  	_ =	shalt  }
0x87: {  	_ =	shalt  }
.Lfunc_end0:
.L_simem_size_0:
called_computation.1_lowered:
.L_overlay_start_0:
0x88: {  	s2 =	sld [smem:$0x3FD9]  }
0x89: {  	s3 =	sld [smem:$0x3FFE];
	_ =	sdelay $0x1  }
0x8a: {  	s1 =	srdreg.scid  }
0x8b: {  	s0 =	sand.u32 $0x1, s1  }
0x8c: {  	s14 =	sshll.u32 s0, $0xA;
	s2 =	sadd.s32 s3, s2  }
0x8d: {  	s2 =	sadd.s32 s2, s14  }
0x8e: {  	[smem:$0x3FC6] =	sst s2  }
0x8f: {  	_ = 	snop  }
0x90: {  	s2 =	sld [smem:$0x3FD0];
	_ =	sdelay $0x2  }
0x91: {  	s15 =	simm.s32 $0xA;
	s4 =	simm.s32 $0x10  }
0x92: {  	[smem:s4], [sflag:s15] =	dma.local [hbm:s2], $0x1  }
0x93: {  	_ =	swait.eq [sflag:s15], $0x1  }
0x94: {  	[sflag:s15] =	ssyncset.done $0x0  }
0x95: {  	[sflag:s15] =	ssyncadd.s32 $0xFFFFFFFF  }
0x96: {  	s16 =	sld [smem:$0x10];
	(tm) =	ssettm $0x1  }
0x97: {  	s17 =	sld [smem:$0x3FFB];
	_ =	sdelay $0x3  }
0x98: {  	_ =	strace s17  }
0x99: {  	s3 =	sld [smem:$0x3FFC];
	_ =	sdelay $0x3  }
0x9a: {  	_ =	strace s3  }
0x9b: {  	s3 =	sld [smem:$0x3FFD];
	_ =	sdelay $0x3  }
0x9c: {  	_ =	strace s3  }
0x9d: {  	_ =	strace $0x8FFFFFFF  }
0x9e: {  	s18 =	sld [smem:$0x3FDB];
	_ =	sdelay $0x1  }
0x9f: {  	s19 =	simm.s32 $_scs_section_size  }
0xa0: {  	s5 =	simm.s32 $_size__tile_overlayer_lowered;
	s6 =	simm.s32 $_tile_overlayer_lowered  }
0xa1: {  	s22 =	simm.s32 $0x1BFF;
	s21 =	sshll.u32 s6, $0x1;
	s3 =	sadd.s32 s19, s18  }
0xa2: {  	s7 =	simm.s32 $0x0;
	s20 =	sshll.u32 s5, $0x1;
	s5 =	sadd.s32 s21, s3  }
0xa3: {  	[timem:s7], [sflag:s22] =	dma.local [hbm:s5], s20  }
0xa4: {  	_ =	swait.ge [sflag:s22], s20  }
0xa5: {  	s4 =	ssub.s32 $0x0, s20;
	[sflag:s22] =	ssyncset.done $0x0  }
0xa6: {  	[sflag:s22] =	ssyncadd.s32 s4;
	_ =	sdelay $0x1  }
0xa7: {  	s23 =	simm.s32 $0x1B8B  }
0xa8: {  	_ =	swait.ge [sflag:s23], $0x1  }
0xa9: {  	[sflag:s23] =	ssyncset.done $0x0  }
0xaa: {  	s25 =	simm.s32 $0x1B8E;
	s24 =	sld [smem:$0x3FFE];
	[sflag:s23] =	ssyncadd.s32 $0xFFFFFFFF  }
0xab: {  	s26 =	simm.s32 $execute0_lowered;
	[smem:$0x3FD2] =	sst s25  }
0xac: {  	s5 =	sshll.u32 s26, $0x1;
	_ =	strace $0x80000049;
	[dreg:$0x1] =	wrdreg $0xFFFFFFFF  }
0xad: {  	s28 =	simm.s32 $_size_execute0_lowered;
	s3 =	sadd.s32 s3, s5;
	[dreg:$0x0] =	wrdreg $0x0  }
0xae: {  	s5 =	sshll.u32 s28, $0x1;
	[dreg:$0x2] =	wrdreg s3  }
0xaf: {  	[dreg:$0x3] =	wrdreg s5  }
0xb0: {  	[dreg:$0x4] =	wrdreg $0xC0  }
0xb1: {  	_ =	task [dreg:s7], $0x5FFFF  }
0xb2: {  	[dreg:$0x1] =	wrdreg $0xFFFFFFFF  }
0xb3: {  	[dreg:$0x0] =	wrdreg $0x60  }
0xb4: {  	[dreg:$0x2] =	wrdreg s24  }
0xb5: {  	[dreg:$0x3] =	wrdreg s16  }
0xb6: {  	[dreg:$0x4] =	wrdreg $0x9  }
0xb7: {  	_ =	task.clear_ibuf [dreg:s7], $0x5FFFF;
	_ =	strace $0x90000049  }
0xb8: {  	s29 =	simm.s32 $0x9;
	_ =	strace $0x8000004B  }
0xb9: {  	_ =	swait.ge [sflag:s29], $0x1  }
0xba: {  	[sflag:s29] =	ssyncadd.s32 $0xFFFFFFFF  }
0xbb: {  	_ =	strace $0x9000004B  }
0xbc: {  	_ =	sfence  }
0xbd: {  	s30 =	sld [smem:$0x0];
	_ =	sdelay $0x2  }
0xbe: {  	s31 =	sshll.u32 s1, $0xD;
	s1 =	sshrl.u32 s1, $0x2  }
0xbf: {  	s3 =	sand.u32 $0x4000, s31;
	s1 =	sadd.s32 s1, s30  }
0xc0: {  	s0 =	sor.u32 s3, s0;
	s1 =	sshll.u32 s1, $0x11  }
0xc1: {  	s0 =	sor.u32 s1, s0  }
0xc2: {  	s0 =	sadd.s32 $0x8F2B, s0  }
0xc3: {  	[sflag:s0] =	ssyncadd.remote.s32 $0x1  }
0xc4: {  	_ =	sfence.sel $0xFFFF  }
0xc5: {  	[dreg:$0x0] =	wrdreg $0xFFFFFFFF;
	(pc) =	sbr.abs _section_cstart, $3  }
0xc6: {  	[dreg:$0x1] =	wrdreg $0xFFFFFFFF  }
0xc7: {  	_ =	task.clear_ibuf [dreg:s7], $0x2FFFF;
	_ =	strace $0x9FFFFFFF  }
0xc8: {  	(tm) =	ssettm $0x7FFFFFFF  }
0xc9: {  	_ =	shalt  }
tec
execute0_lowered:
.L_overlay_start_1:
0x0: {  	(tag) =	ssettag $0x1  }
0x1: {  	s0 =	stileid.u32;
	s3 =	rddreg [dreg:$0x0]  }
0x2: {  	s1 =	srdreg.scid;
	s5 =	rddreg [dreg:$0x1]  }
0x3: {  	s11 =	simm.s32 $0x40;
	s12 =	simm.s32 $0x4000;
	s13 =	simm.s32 $0x1  }
0x4: {  	s14 =	simm.s32 $0x4400;
	s15 =	simm.s32 $0x5400;
	s16 =	simm.s32 $0x6400  }
0x5: {  	s17 =	simm.s32 $0x7400;
	s18 =	simm.s32 $0x0;
	s2 =	sshll.u32 s0, $0x1  }
0x6: {  	s4 =	sand.u32 $0x1, s1;
	s1 =	rddreg [dreg:$0x2];
	s8 =	sshrl.u32 s0, $0x1  }
0x7: {  	s6 =	sand.u32 $0x2, s2;
	s2 =	simm.s32 $0x0;
	s9 =	sshll.u32 s8, $0x7  }
0x8: {  	s8 =	sshll.u32 s8, $0x10;
	s6 =	sor.u32 s4, s6;
	[smem:$0x7FF] =	sst s2  }
0x9: {  	s4 =	ssub.s32 $0x2, s4;
	s9 =	sadd.s32 s9, s3;
	s7 =	sshll.u32 s6, $0x1  }
0xa: {  	_ =	strace $0x8000004A;
	s6 =	sshll.u32 s6, $0xE;
	s28 =	sshrl.u32 s4, $0x1  }
0xb: {  	s7 =	sadd.s32 s7, s3;
	s6 =	sor.u32 s6, s8;
	s10 =	ssub.s32 s4, s28  }
0xc: {  	s4 =	sadd.s32 $0x3200, s9;
	s29 =	sor.u32 $0x80000, s6;
	s6 =	sshrl.u32 s6, $0x3  }
0xd: {  	s3 =	sadd.s32 $0x1000, s7;
	s9 =	smax.u32 s10, $0x1;
	s30 =	sshrl.u32 s29, $0x3  }
0xe: {  	s10 =	simm.s32 $0x10;
	s31 =	sadd.s32 s6, s5;
	s5 =	sadd.s32 s5, s30  }
0xf: {  	s6 =	sadd.s32 $0x10200, s31;
	s7 =	sadd.s32 $0x10400, s31;
	s8 =	sadd.s32 $0x10600, s31  }
.LBB2_1:
0x10: {  	[tilespmem:s2], [sflag:$0x1] =	stream.strided.gather [hbm4b:s3+s10], $0x4000, s11, s10, $0x38;
	[tilespmem:$0x8400] =	vst v63  }
0x11: {  	_ = 	snop  }
0x12: {  	[tilespmem:s12], [sflag:$0x1] =	stream.linear.gather [hbm4b:s4+s2], $0x400, $0x38;
	[tilespmem:$0x8400] =	vst v63  }
0x13: {  	_ =	swait.ge [sflag:s13], $0x4000  }
0x14: {  	[sflag:s13] =	ssyncset.done $0x0  }
0x15: {  	[sflag:s13] =	ssyncadd.s32 $0xFFFFC000  }
0x16: {  	_ =	swait.ge [sflag:s13], $0x400  }
0x17: {  	[sflag:s13] =	ssyncset.done $0x0  }
0x18: {  	s19 =	simm.s32 $0x4020;
	[sflag:s13] =	ssyncadd.s32 $0xFFFFFC00  }
0x19: {  	v0 =	vld [tilespmem:s19+$0x10];
	_ =	sdelay $0x1  }
0x1a: {  	v1 =	vld [tilespmem:s19+$0xFFFFFFF0];
	_ =	sdelay $0x2  }
0x1b: {  	v4 =	vshll.u32 v0, $0x4;
	_ =	sdelay $0x1  }
0x1c: {  	v1 =	vshll.u32 v1, $0x4  }
0x1d: {  	v2 =	vld [tilespmem:s19+$0xFFFFFFE0]  }
0x1e: {  	v3 =	vld [tilespmem:s19+$0x0]  }
0x1f: {  	s20 =	simm.s32 $0x4060;
	v0 =	vld.idx.msk [tilespmem:v4+s2+$0x0], $0xffff  }
0x20: {  	v11 =	vld [tilespmem:s20+$0xFFFFFFF0];
	v5 =	vor.u32 $0x1, v4  }
0x21: {  	v6 =	vld.idx.msk [tilespmem:v1+s2+$0x0], $0xffff  }
0x22: {  	v13 =	vld [tilespmem:s20+$0xFFFFFFE0];
	v2 =	vshll.u32 v2, $0x4  }
0x23: {  	s19 =	simm.s32 $0x4C00;
	v3 =	vshll.u32 v3, $0x4  }
0x24: {  	v15 =	vld [tilespmem:s20+$0x0];
	v7 =	vor.u32 $0x1, v1;
	[tilespmem:s19+$0xFFFFF830] =	vst v0  }
0x25: {  	v16 =	vshll.u32 v11, $0x4;
	v0 =	vld.idx.msk [tilespmem:v5+s2+$0x0], $0xffff  }
0x26: {  	[tilespmem:s19+$0xFFFFF810] =	vst v6;
	v6 =	vld [tilespmem:s20+$0x10];
	v5 =	vor.u32 $0x2, v4  }
0x27: {  	v17 =	vshll.u32 v13, $0x4;
	v8 =	vld.idx.msk [tilespmem:v2+s2+$0x0], $0xffff  }
0x28: {  	v10 =	vor.u32 $0x1, v2;
	v9 =	vld.idx.msk [tilespmem:v3+s2+$0x0], $0xffff  }
0x29: {  	v12 =	vor.u32 $0x1, v3;
	v7 =	vld.idx.msk [tilespmem:v7+s2+$0x0], $0xffff  }
0x2a: {  	v18 =	vshll.u32 v15, $0x4;
	v19 =	vld.idx.msk [tilespmem:v16+s2+$0x0], $0xffff;
	[tilespmem:s19+$0xFFFFFC30] =	vst v0  }
0x2b: {  	v0 =	vshll.u32 v6, $0x4;
	v5 =	vld.idx.msk [tilespmem:v5+s2+$0x0], $0xffff  }
0x2c: {  	v14 =	vor.u32 $0x2, v1;
	v21 =	vld.idx.msk [tilespmem:v17+s2+$0x0], $0xffff;
	[tilespmem:s19+$0xFFFFF800] =	vst v8  }
0x2d: {  	[tilespmem:s19+$0xFFFFF820] =	vst v9;
	v4 =	vor.u32 $0x3, v4;
	v6 =	vld.idx.msk [tilespmem:v10+s2+$0x0], $0xffff  }
0x2e: {  	v22 =	vor.u32 $0x1, v16;
	[tilespmem:s19+$0xFFFFFC10] =	vst v7;
	v7 =	vld.idx.msk [tilespmem:v12+s2+$0x0], $0xffff  }
0x2f: {  	v13 =	vld.idx.msk [tilespmem:v18+s2+$0x0], $0xffff;
	v9 =	vor.u32 $0x2, v2  }
0x30: {  	s20 =	simm.s32 $0x4C40;
	v10 =	vld.idx.msk [tilespmem:v0+s2+$0x0], $0xffff;
	[tilespmem:s19+$0x30] =	vst v5;
	v5 =	vor.u32 $0x2, v3  }
0x31: {  	[tilespmem:s20+$0xFFFFF810] =	vst v19;
	v8 =	vld.idx.msk [tilespmem:v14+s2+$0x0], $0xffff;
	v15 =	vor.u32 $0x1, v0  }
0x32: {  	v20 =	vor.u32 $0x3, v1;
	[tilespmem:s19+$0xFFFFFC00] =	vst v6;
	v14 =	vld.idx.msk [tilespmem:v4+s2+$0x0], $0xffff  }
0x33: {  	[tilespmem:s19+$0xFFFFFC20] =	vst v7;
	v7 =	vor.u32 $0x2, v16;
	v6 =	vor.u32 $0x3, v16;
	v16 =	vld.idx.msk [tilespmem:v22+s2+$0x0], $0xffff  }
0x34: {  	[tilespmem:s20+$0xFFFFF800] =	vst v21;
	v11 =	vld.idx.msk [tilespmem:v9+s2+$0x0], $0xffff  }
0x35: {  	v1 =	vor.u32 $0x3, v2;
	v2 =	vor.u32 $0x3, v3;
	v9 =	vor.u32 $0x1, v18;
	[tilespmem:s20+$0xFFFFF830] =	vst v10;
	v12 =	vld.idx.msk [tilespmem:v5+s2+$0x0], $0xffff  }
0x36: {  	[tilespmem:s19+$0x10] =	vst v8;
	v8 =	vor.u32 $0x2, v17;
	v3 =	vor.u32 $0x3, v17;
	v4 =	vor.u32 $0x2, v18;
	v15 =	vld.idx.msk [tilespmem:v15+s2+$0x0], $0xffff  }
0x37: {  	s21 =	simm.s32 $0x4;
	s22 =	simm.s32 $0x40A0;
	v10 =	vor.u32 $0x1, v17;
	v17 =	vor.u32 $0x2, v0;
	v5 =	vor.u32 $0x3, v18;
	[tilespmem:s19+$0x430] =	vst v14;
	v14 =	vld.idx.msk [tilespmem:v20+s2+$0x0], $0xffff  }
.LBB2_2:
0x38: {  	v18 =	vld [tilespmem:s22+$0x10];
	s21 =	sadd.s32 $0x4, s21;
	[tilespmem:s20+$0xFFFFF820] =	vst v13  }
0x39: {  	v13 =	vld [tilespmem:s22+$0xFFFFFFF0];
	p0 =	slt.u32 s21, $0x3C;
	[tilespmem:s19+$0x0] =	vst v11  }
0x3a: {  	v11 =	vld [tilespmem:s22+$0x0];
	[tilespmem:s19+$0x20] =	vst v12  }
0x3b: {  	v12 =	vld [tilespmem:s22+$0xFFFFFFE0];
	[tilespmem:s20+$0xFFFFFC30] =	vst v15  }
0x3c: {  	v15 =	vld.idx.msk [tilespmem:v17+s2+$0x0], $0xffff;
	[tilespmem:s19+$0x410] =	vst v14  }
0x3d: {  	v14 =	vshll.u32 v18, $0x4;
	v17 =	vld.idx.msk [tilespmem:v10+s2+$0x0], $0xffff;
	[tilespmem:s20+$0xFFFFFC10] =	vst v16  }
0x3e: {  	v18 =	vor.u32 $0x3, v0;
	v13 =	vshll.u32 v13, $0x4;
	v16 =	vld.idx.msk [tilespmem:v9+s2+$0x0], $0xffff;
	v0 =	vmov v14  }
0x3f: {  	v19 =	vor.u32 $0x1, v13;
	v11 =	vshll.u32 v11, $0x4;
	v20 =	vld.idx.msk [tilespmem:v7+s2+$0x0], $0xffff;
	v7 =	vor.u32 $0x2, v13  }
0x40: {  	v12 =	vshll.u32 v12, $0x4;
	v9 =	vor.u32 $0x1, v11;
	v21 =	vor.u32 $0x2, v11;
	v22 =	vld.idx.msk [tilespmem:v1+s2+$0x0], $0xffff;
	v1 =	vmovc v3  }
0x41: {  	v10 =	vor.u32 $0x1, v12;
	v23 =	vor.u32 $0x2, v12;
	v3 =	vor.u32 $0x3, v12;
	v24 =	vld.idx.msk [tilespmem:v2+s2+$0x0], $0xffff;
	v2 =	vmovc v5  }
0x42: {  	v25 =	vor.u32 $0x3, v13;
	v5 =	vor.u32 $0x3, v11;
	v14 =	vld.idx.msk [tilespmem:v14+s2+$0x0], $0xffff;
	[tilespmem:s20+$0x30] =	vst v15  }
0x43: {  	[tilespmem:s20+$0xFFFFFC00] =	vst v17;
	v17 =	vld.idx.msk [tilespmem:v18+s2+$0x0], $0xffff  }
0x44: {  	v15 =	vor.u32 $0x1, v0;
	v18 =	vld.idx.msk [tilespmem:v13+s2+$0x0], $0xffff;
	[tilespmem:s20+$0xFFFFFC20] =	vst v16  }
0x45: {  	v16 =	vld.idx.msk [tilespmem:v12+s2+$0x0], $0xffff;
	[tilespmem:s20+$0x10] =	vst v20  }
0x46: {  	v13 =	vld.idx.msk [tilespmem:v11+s2+$0x0], $0xffff;
	[tilespmem:s19+$0x400] =	vst v22  }
.Ltmp0:
0x47: {  	v11 =	vld.idx.msk [tilespmem:v8+s2+$0x0], $0xffff;
	[tilespmem:s19+$0x420] =	vst v24;
	v8 =	vmov v23;
	s19 =	smov.u32 s20;
	s20 =	sadd.s32 $0x40, s20;
	(pc) =	sbr.rel @p0 .LBB2_2-.Ltmp0, $4  }
0x48: {  	[tilespmem:s20+$0xFFFFF830] =	vst v14;
	v12 =	vld.idx.msk [tilespmem:v4+s2+$0x0], $0xffff;
	v4 =	vmov v21  }
0x49: {  	v15 =	vld.idx.msk [tilespmem:v15+s2+$0x0], $0xffff;
	[tilespmem:s19+$0x430] =	vst v17  }
0x4a: {  	[tilespmem:s20+$0xFFFFF810] =	vst v18;
	v14 =	vld.idx.msk [tilespmem:v6+s2+$0x0], $0xffff;
	v6 =	vmov v25  }
0x4b: {  	s22 =	sadd.s32 $0x40, s22;
	v17 =	vor.u32 $0x2, v0;
	[tilespmem:s20+$0xFFFFF800] =	vst v16;
	v16 =	vld.idx.msk [tilespmem:v19+s2+$0x0], $0xffff  }
0x4c: {  	_ =	sdelay $0x3  }
0x4d: {  	[tilespmem:s20+$0xFFFFF820] =	vst v13;
	v10 =	vld.idx.msk [tilespmem:v10+s2+$0x0], $0xffff  }
0x4e: {  	v9 =	vld.idx.msk [tilespmem:v9+s2+$0x0], $0xffff  }
0x4f: {  	[tilespmem:s19+$0x0] =	vst v11  }
0x50: {  	[tilespmem:s20+$0xFFFFFC30] =	vst v15  }
0x51: {  	v11 =	vld.idx.msk [tilespmem:v17+s2+$0x0], $0xffff;
	[tilespmem:s20+$0xFFFFFC10] =	vst v16  }
0x52: {  	v0 =	vor.u32 $0x3, v0;
	v7 =	vld.idx.msk [tilespmem:v7+s2+$0x0], $0xffff;
	[tilespmem:s20+$0xFFFFFC00] =	vst v10  }
0x53: {  	[tilespmem:s20+$0xFFFFFC20] =	vst v9;
	v8 =	vld.idx.msk [tilespmem:v8+s2+$0x0], $0xffff  }
0x54: {  	[tilespmem:s19+$0x20] =	vst v12;
	v4 =	vld.idx.msk [tilespmem:v4+s2+$0x0], $0xffff  }
0x55: {  	v1 =	vld.idx.msk [tilespmem:v1+s2+$0x0], $0xffff;
	[tilespmem:s19+$0x410] =	vst v14  }
0x56: {  	v2 =	vld.idx.msk [tilespmem:v2+s2+$0x0], $0xffff;
	[tilespmem:s20+$0x30] =	vst v11  }
0x57: {  	v0 =	vld.idx.msk [tilespmem:v0+s2+$0x0], $0xffff;
	[tilespmem:s20+$0x10] =	vst v7  }
0x58: {  	v6 =	vld.idx.msk [tilespmem:v6+s2+$0x0], $0xffff;
	[tilespmem:s20+$0x0] =	vst v8  }
0x59: {  	[tilespmem:s20+$0x20] =	vst v4;
	v3 =	vld.idx.msk [tilespmem:v3+s2+$0x0], $0xffff  }
0x5a: {  	[tilespmem:s19+$0x400] =	vst v1;
	v1 =	vld.idx.msk [tilespmem:v5+s2+$0x0], $0xffff  }
0x5b: {  	[tilespmem:s19+$0x420] =	vst v2  }
0x5c: {  	[tilespmem:s20+$0x430] =	vst v0  }
0x5d: {  	[tilespmem:s20+$0x410] =	vst v6  }
0x5e: {  	[tilespmem:s20+$0x400] =	vst v3  }
0x5f: {  	s30 =	simm.s32 $0x4020;
	[tilespmem:s20+$0x420] =	vst v1  }
0x60: {  	[hbm4b:s5+s2] =	stream.linear.scatter [tilespmem:s14], [sflag:$0x1], $0x1000, $0x38;
	[tilespmem:$0x8400] =	vst v63  }
0x61: {  	v0 =	vld [tilespmem:s30+$0x10];
	_ =	sdelay $0x4  }
0x62: {  	v2 =	vld [tilespmem:s30+$0xFFFFFFE0];
	v3 =	vshll.u32 v0, $0x4  }
0x63: {  	v0 =	vor.u32 $0x4, v3;
	_ =	sdelay $0x2  }
0x64: {  	v1 =	vld [tilespmem:s30+$0xFFFFFFF0]  }
0x65: {  	v4 =	vld [tilespmem:s30+$0x0];
	v2 =	vshll.u32 v2, $0x4  }
0x66: {  	s31 =	simm.s32 $0x4060;
	v6 =	vor.u32 $0x4, v2;
	v0 =	vld.idx.msk [tilespmem:v0+s2+$0x0], $0xffff  }
0x67: {  	v12 =	vld [tilespmem:s31+$0xFFFFFFE0];
	v7 =	vor.u32 $0x5, v3  }
0x68: {  	v10 =	vld [tilespmem:s31+$0xFFFFFFF0]  }
0x69: {  	v1 =	vshll.u32 v1, $0x4  }
0x6a: {  	s19 =	simm.s32 $0x6030;
	v14 =	vld [tilespmem:s31+$0x0];
	v4 =	vshll.u32 v4, $0x4;
	v5 =	vor.u32 $0x4, v1  }
0x6b: {  	v8 =	vor.u32 $0x4, v4;
	v6 =	vld.idx.msk [tilespmem:v6+s2+$0x0], $0xffff;
	[tilespmem:s19+$0xFFFFF400] =	vst v0  }
0x6c: {  	v19 =	vshll.u32 v12, $0x4;
	v0 =	vld.idx.msk [tilespmem:v7+s2+$0x0], $0xffff  }
0x6d: {  	v17 =	vshll.u32 v10, $0x4;
	v10 =	vor.u32 $0x4, v19;
	v7 =	vld [tilespmem:s31+$0x10]  }
0x6e: {  	v9 =	vor.u32 $0x6, v3  }
0x6f: {  	v11 =	vor.u32 $0x5, v2;
	v5 =	vld.idx.msk [tilespmem:v5+s2+$0x0], $0xffff  }
0x70: {  	v13 =	vor.u32 $0x5, v1;
	v8 =	vld.idx.msk [tilespmem:v8+s2+$0x0], $0xffff  }
0x71: {  	v15 =	vor.u32 $0x5, v4;
	[tilespmem:s19+$0xFFFFF3D0] =	vst v6  }
0x72: {  	v20 =	vshll.u32 v14, $0x4;
	v14 =	vld.idx.msk [tilespmem:v10+s2+$0x0], $0xffff;
	v6 =	vor.u32 $0x4, v17;
	[tilespmem:s19+$0xFFFFF800] =	vst v0;
	v0 =	vshll.u32 v7, $0x4  }
0x73: {  	v7 =	vld.idx.msk [tilespmem:v9+s2+$0x0], $0xffff;
	v9 =	vor.u32 $0x4, v0  }
0x74: {  	v3 =	vor.u32 $0x7, v3;
	[tilespmem:s19+$0xFFFFF3E0] =	vst v5;
	v5 =	vld.idx.msk [tilespmem:v11+s2+$0x0], $0xffff  }
0x75: {  	v12 =	vor.u32 $0x4, v20;
	[tilespmem:s19+$0xFFFFF3F0] =	vst v8;
	v8 =	vld.idx.msk [tilespmem:v13+s2+$0x0], $0xffff  }
0x76: {  	v11 =	vld.idx.msk [tilespmem:v15+s2+$0x0], $0xffff;
	v15 =	vor.u32 $0x6, v2  }
0x77: {  	v23 =	vor.u32 $0x6, v4;
	v22 =	vld.idx.msk [tilespmem:v6+s2+$0x0], $0xffff  }
0x78: {  	v9 =	vld.idx.msk [tilespmem:v9+s2+$0x0], $0xffff;
	[tilespmem:s19+$0xFFFFFC00] =	vst v7;
	v7 =	vor.u32 $0x6, v1  }
0x79: {  	[tilespmem:s19+$0xFFFFF7D0] =	vst v5;
	v18 =	vor.u32 $0x5, v0;
	v21 =	vld.idx.msk [tilespmem:v3+s2+$0x0], $0xffff  }
0x7a: {  	v13 =	vld.idx.msk [tilespmem:v12+s2+$0x0], $0xffff;
	[tilespmem:s19+$0xFFFFF7E0] =	vst v8  }
0x7b: {  	s20 =	simm.s32 $0x6070;
	v10 =	vor.u32 $0x5, v17;
	v12 =	vor.u32 $0x5, v19;
	v6 =	vor.u32 $0x6, v17;
	[tilespmem:s19+$0xFFFFF7F0] =	vst v11;
	v15 =	vld.idx.msk [tilespmem:v15+s2+$0x0], $0xffff  }
0x7c: {  	v11 =	vor.u32 $0x5, v20;
	v5 =	vor.u32 $0x6, v20;
	v8 =	vor.u32 $0x7, v17;
	v17 =	vld.idx.msk [tilespmem:v23+s2+$0x0], $0xffff;
	[tilespmem:s20+$0xFFFFF3E0] =	vst v22  }
0x7d: {  	v3 =	vor.u32 $0x7, v2;
	v2 =	vor.u32 $0x7, v1;
	v1 =	vor.u32 $0x7, v4;
	[tilespmem:s20+$0xFFFFF400] =	vst v9;
	v16 =	vld.idx.msk [tilespmem:v7+s2+$0x0], $0xffff  }
0x7e: {  	s21 =	simm.s32 $0x4;
	s22 =	simm.s32 $0x40A0;
	v4 =	vor.u32 $0x7, v20;
	v7 =	vor.u32 $0x6, v19;
	v9 =	vor.u32 $0x7, v19;
	v18 =	vld.idx.msk [tilespmem:v18+s2+$0x0], $0xffff;
	[tilespmem:s19+$0x0] =	vst v21  }
.LBB2_4:
0x7f: {  	v19 =	vld [tilespmem:s22+$0x10];
	s21 =	sadd.s32 $0x4, s21;
	[tilespmem:s20+$0xFFFFF3D0] =	vst v14;
	v14 =	vor.u32 $0x6, v0  }
0x80: {  	v20 =	vld [tilespmem:s22+$0xFFFFFFF0];
	p0 =	slt.u32 s21, $0x3C;
	[tilespmem:s20+$0xFFFFF3F0] =	vst v13  }
0x81: {  	v13 =	vld [tilespmem:s22+$0x0];
	[tilespmem:s19+$0xFFFFFBD0] =	vst v15  }
0x82: {  	v15 =	vld [tilespmem:s22+$0xFFFFFFE0];
	[tilespmem:s19+$0xFFFFFBE0] =	vst v16  }
0x83: {  	v16 =	vld.idx.msk [tilespmem:v12+s2+$0x0], $0xffff;
	[tilespmem:s20+$0xFFFFF800] =	vst v18  }
0x84: {  	v12 =	vshll.u32 v19, $0x4;
	v14 =	vld.idx.msk [tilespmem:v14+s2+$0x0], $0xffff;
	[tilespmem:s19+$0xFFFFFBF0] =	vst v17  }
0x85: {  	v17 =	vshll.u32 v20, $0x4;
	v18 =	vor.u32 $0x4, v12;
	v19 =	vld.idx.msk [tilespmem:v10+s2+$0x0], $0xffff  }
0x86: {  	v22 =	vor.u32 $0x7, v0;
	v0 =	vmovc v12;
	v20 =	vor.u32 $0x4, v17;
	v13 =	vshll.u32 v13, $0x4;
	v21 =	vld.idx.msk [tilespmem:v11+s2+$0x0], $0xffff  }
0x87: {  	v10 =	vor.u32 $0x5, v17;
	v15 =	vshll.u32 v15, $0x4;
	v23 =	vor.u32 $0x4, v13;
	v24 =	vld.idx.msk [tilespmem:v3+s2+$0x0], $0xffff;
	v3 =	vmovc v9  }
0x88: {  	v11 =	vor.u32 $0x5, v13;
	v25 =	vor.u32 $0x4, v15;
	v12 =	vor.u32 $0x5, v15;
	v26 =	vld.idx.msk [tilespmem:v2+s2+$0x0], $0xffff;
	v2 =	vmovc v8  }
0x89: {  	v28 =	vor.u32 $0x6, v17;
	v29 =	vor.u32 $0x6, v13;
	v27 =	vor.u32 $0x6, v15;
	[tilespmem:s20+$0xFFFFF7D0] =	vst v16;
	v16 =	vld.idx.msk [tilespmem:v1+s2+$0x0], $0xffff;
	v1 =	vmovc v4  }
0x8a: {  	v9 =	vor.u32 $0x7, v15;
	v8 =	vor.u32 $0x7, v17;
	v4 =	vor.u32 $0x7, v13;
	v17 =	vld.idx.msk [tilespmem:v18+s2+$0x0], $0xffff;
	[tilespmem:s20+$0xFFFFFC00] =	vst v14  }
0x8b: {  	[tilespmem:s20+$0xFFFFF7E0] =	vst v19;
	v19 =	vld.idx.msk [tilespmem:v22+s2+$0x0], $0xffff  }
0x8c: {  	v18 =	vor.u32 $0x5, v0;
	v20 =	vld.idx.msk [tilespmem:v20+s2+$0x0], $0xffff;
	[tilespmem:s20+$0xFFFFF7F0] =	vst v21  }
0x8d: {  	v14 =	vld.idx.msk [tilespmem:v25+s2+$0x0], $0xffff;
	[tilespmem:s19+$0xFFFFFFD0] =	vst v24  }
.Ltmp1:
0x8e: {  	v13 =	vld.idx.msk [tilespmem:v23+s2+$0x0], $0xffff;
	[tilespmem:s19+$0xFFFFFFE0] =	vst v26;
	(pc) =	sbr.rel @p0 .LBB2_4-.Ltmp1, $4  }
0x8f: {  	v15 =	vld.idx.msk [tilespmem:v7+s2+$0x0], $0xffff;
	[tilespmem:s19+$0xFFFFFFF0] =	vst v16;
	v7 =	vmov v27;
	s19 =	smov.u32 s20;
	s20 =	sadd.s32 $0x40, s20  }
0x90: {  	[tilespmem:s20+$0xFFFFF400] =	vst v17;
	v16 =	vld.idx.msk [tilespmem:v6+s2+$0x0], $0xffff;
	v6 =	vmov v28  }
0x91: {  	v18 =	vld.idx.msk [tilespmem:v18+s2+$0x0], $0xffff;
	[tilespmem:s19+$0x0] =	vst v19  }
0x92: {  	s22 =	sadd.s32 $0x40, s22;
	[tilespmem:s20+$0xFFFFF3E0] =	vst v20;
	v17 =	vld.idx.msk [tilespmem:v5+s2+$0x0], $0xffff;
	v5 =	vmov v29  }
0x93: {  	_ =	sdelay $0x3  }
0x94: {  	[tilespmem:s20+$0xFFFFF3D0] =	vst v14;
	v14 =	vor.u32 $0x6, v0;
	v10 =	vld.idx.msk [tilespmem:v10+s2+$0x0], $0xffff  }
0x95: {  	[tilespmem:s20+$0xFFFFF3F0] =	vst v13;
	v12 =	vld.idx.msk [tilespmem:v12+s2+$0x0], $0xffff  }
0x96: {  	v11 =	vld.idx.msk [tilespmem:v11+s2+$0x0], $0xffff  }
0x97: {  	[tilespmem:s19+$0xFFFFFBD0] =	vst v15  }
0x98: {  	[tilespmem:s20+$0xFFFFF800] =	vst v18  }
0x99: {  	v13 =	vld.idx.msk [tilespmem:v14+s2+$0x0], $0xffff;
	[tilespmem:s20+$0xFFFFF7E0] =	vst v10  }
0x9a: {  	[tilespmem:s20+$0xFFFFF7D0] =	vst v12;
	v6 =	vld.idx.msk [tilespmem:v6+s2+$0x0], $0xffff  }
0x9b: {  	v0 =	vor.u32 $0x7, v0;
	[tilespmem:s20+$0xFFFFF7F0] =	vst v11;
	v7 =	vld.idx.msk [tilespmem:v7+s2+$0x0], $0xffff  }
0x9c: {  	[tilespmem:s19+$0xFFFFFBE0] =	vst v16;
	v5 =	vld.idx.msk [tilespmem:v5+s2+$0x0], $0xffff  }
0x9d: {  	v3 =	vld.idx.msk [tilespmem:v3+s2+$0x0], $0xffff;
	[tilespmem:s19+$0xFFFFFBF0] =	vst v17  }
0x9e: {  	v2 =	vld.idx.msk [tilespmem:v2+s2+$0x0], $0xffff;
	[tilespmem:s20+$0xFFFFFC00] =	vst v13  }
0x9f: {  	v1 =	vld.idx.msk [tilespmem:v1+s2+$0x0], $0xffff;
	[tilespmem:s20+$0xFFFFFBE0] =	vst v6  }
0xa0: {  	v0 =	vld.idx.msk [tilespmem:v0+s2+$0x0], $0xffff;
	[tilespmem:s20+$0xFFFFFBD0] =	vst v7  }
0xa1: {  	[tilespmem:s20+$0xFFFFFBF0] =	vst v5;
	v5 =	vld.idx.msk [tilespmem:v8+s2+$0x0], $0xffff  }
0xa2: {  	[tilespmem:s19+$0xFFFFFFD0] =	vst v3;
	v3 =	vld.idx.msk [tilespmem:v9+s2+$0x0], $0xffff  }
0xa3: {  	[tilespmem:s19+$0xFFFFFFE0] =	vst v2;
	v2 =	vld.idx.msk [tilespmem:v4+s2+$0x0], $0xffff  }
0xa4: {  	[tilespmem:s19+$0xFFFFFFF0] =	vst v1  }
0xa5: {  	[tilespmem:s20+$0x0] =	vst v0  }
0xa6: {  	[tilespmem:s20+$0xFFFFFFE0] =	vst v5  }
0xa7: {  	[tilespmem:s20+$0xFFFFFFD0] =	vst v3  }
0xa8: {  	s30 =	simm.s32 $0x4020;
	[tilespmem:s20+$0xFFFFFFF0] =	vst v2  }
0xa9: {  	[hbm4b:s6+s2] =	stream.linear.scatter [tilespmem:s15], [sflag:$0x1], $0x1000, $0x38;
	[tilespmem:$0x8400] =	vst v63  }
0xaa: {  	v0 =	vld [tilespmem:s30+$0x10];
	_ =	sdelay $0x4  }
0xab: {  	v2 =	vld [tilespmem:s30+$0xFFFFFFE0];
	v3 =	vshll.u32 v0, $0x4  }
0xac: {  	v0 =	vor.u32 $0x8, v3;
	_ =	sdelay $0x2  }
0xad: {  	v1 =	vld [tilespmem:s30+$0xFFFFFFF0]  }
0xae: {  	v4 =	vld [tilespmem:s30+$0x0];
	v2 =	vshll.u32 v2, $0x4  }
0xaf: {  	s31 =	simm.s32 $0x4060;
	v6 =	vor.u32 $0x8, v2;
	v0 =	vld.idx.msk [tilespmem:v0+s2+$0x0], $0xffff  }
0xb0: {  	v12 =	vld [tilespmem:s31+$0xFFFFFFE0];
	v7 =	vor.u32 $0x9, v3  }
0xb1: {  	v10 =	vld [tilespmem:s31+$0xFFFFFFF0]  }
0xb2: {  	v1 =	vshll.u32 v1, $0x4  }
0xb3: {  	s19 =	simm.s32 $0x7030;
	v14 =	vld [tilespmem:s31+$0x0];
	v4 =	vshll.u32 v4, $0x4;
	v5 =	vor.u32 $0x8, v1  }
0xb4: {  	v8 =	vor.u32 $0x8, v4;
	v6 =	vld.idx.msk [tilespmem:v6+s2+$0x0], $0xffff;
	[tilespmem:s19+$0xFFFFF400] =	vst v0  }
0xb5: {  	v19 =	vshll.u32 v12, $0x4;
	v0 =	vld.idx.msk [tilespmem:v7+s2+$0x0], $0xffff  }
0xb6: {  	v17 =	vshll.u32 v10, $0x4;
	v10 =	vor.u32 $0x8, v19;
	v7 =	vld [tilespmem:s31+$0x10]  }
0xb7: {  	v9 =	vor.u32 $0xA, v3  }
0xb8: {  	v11 =	vor.u32 $0x9, v2;
	v5 =	vld.idx.msk [tilespmem:v5+s2+$0x0], $0xffff  }
0xb9: {  	v13 =	vor.u32 $0x9, v1;
	v8 =	vld.idx.msk [tilespmem:v8+s2+$0x0], $0xffff  }
0xba: {  	v15 =	vor.u32 $0x9, v4;
	[tilespmem:s19+$0xFFFFF3D0] =	vst v6  }
0xbb: {  	v20 =	vshll.u32 v14, $0x4;
	v14 =	vld.idx.msk [tilespmem:v10+s2+$0x0], $0xffff;
	v6 =	vor.u32 $0x8, v17;
	[tilespmem:s19+$0xFFFFF800] =	vst v0;
	v0 =	vshll.u32 v7, $0x4  }
0xbc: {  	v7 =	vld.idx.msk [tilespmem:v9+s2+$0x0], $0xffff;
	v9 =	vor.u32 $0x8, v0  }
0xbd: {  	v3 =	vor.u32 $0xB, v3;
	[tilespmem:s19+$0xFFFFF3E0] =	vst v5;
	v5 =	vld.idx.msk [tilespmem:v11+s2+$0x0], $0xffff  }
0xbe: {  	v12 =	vor.u32 $0x8, v20;
	[tilespmem:s19+$0xFFFFF3F0] =	vst v8;
	v8 =	vld.idx.msk [tilespmem:v13+s2+$0x0], $0xffff  }
0xbf: {  	v11 =	vld.idx.msk [tilespmem:v15+s2+$0x0], $0xffff;
	v15 =	vor.u32 $0xA, v2  }
0xc0: {  	v23 =	vor.u32 $0xA, v4;
	v22 =	vld.idx.msk [tilespmem:v6+s2+$0x0], $0xffff  }
0xc1: {  	v9 =	vld.idx.msk [tilespmem:v9+s2+$0x0], $0xffff;
	[tilespmem:s19+$0xFFFFFC00] =	vst v7;
	v7 =	vor.u32 $0xA, v1  }
0xc2: {  	[tilespmem:s19+$0xFFFFF7D0] =	vst v5;
	v18 =	vor.u32 $0x9, v0;
	v21 =	vld.idx.msk [tilespmem:v3+s2+$0x0], $0xffff  }
0xc3: {  	v13 =	vld.idx.msk [tilespmem:v12+s2+$0x0], $0xffff;
	[tilespmem:s19+$0xFFFFF7E0] =	vst v8  }
0xc4: {  	s20 =	simm.s32 $0x7070;
	v10 =	vor.u32 $0x9, v17;
	v12 =	vor.u32 $0x9, v19;
	v6 =	vor.u32 $0xA, v17;
	[tilespmem:s19+$0xFFFFF7F0] =	vst v11;
	v15 =	vld.idx.msk [tilespmem:v15+s2+$0x0], $0xffff  }
0xc5: {  	v11 =	vor.u32 $0x9, v20;
	v5 =	vor.u32 $0xA, v20;
	v8 =	vor.u32 $0xB, v17;
	v17 =	vld.idx.msk [tilespmem:v23+s2+$0x0], $0xffff;
	[tilespmem:s20+$0xFFFFF3E0] =	vst v22  }
0xc6: {  	v3 =	vor.u32 $0xB, v2;
	v2 =	vor.u32 $0xB, v1;
	v1 =	vor.u32 $0xB, v4;
	[tilespmem:s20+$0xFFFFF400] =	vst v9;
	v16 =	vld.idx.msk [tilespmem:v7+s2+$0x0], $0xffff  }
0xc7: {  	s21 =	simm.s32 $0x4;
	s22 =	simm.s32 $0x40A0;
	v4 =	vor.u32 $0xB, v20;
	v7 =	vor.u32 $0xA, v19;
	v9 =	vor.u32 $0xB, v19;
	v18 =	vld.idx.msk [tilespmem:v18+s2+$0x0], $0xffff;
	[tilespmem:s19+$0x0] =	vst v21  }
.LBB2_6:
0xc8: {  	v19 =	vld [tilespmem:s22+$0x10];
	s21 =	sadd.s32 $0x4, s21;
	[tilespmem:s20+$0xFFFFF3D0] =	vst v14;
	v14 =	vor.u32 $0xA, v0  }
0xc9: {  	v20 =	vld [tilespmem:s22+$0xFFFFFFF0];
	p0 =	slt.u32 s21, $0x3C;
	[tilespmem:s20+$0xFFFFF3F0] =	vst v13  }
0xca: {  	v13 =	vld [tilespmem:s22+$0x0];
	[tilespmem:s19+$0xFFFFFBD0] =	vst v15  }
0xcb: {  	v15 =	vld [tilespmem:s22+$0xFFFFFFE0];
	[tilespmem:s19+$0xFFFFFBE0] =	vst v16  }
0xcc: {  	v16 =	vld.idx.msk [tilespmem:v12+s2+$0x0], $0xffff;
	[tilespmem:s20+$0xFFFFF800] =	vst v18  }
0xcd: {  	v12 =	vshll.u32 v19, $0x4;
	v14 =	vld.idx.msk [tilespmem:v14+s2+$0x0], $0xffff;
	[tilespmem:s19+$0xFFFFFBF0] =	vst v17  }
0xce: {  	v17 =	vshll.u32 v20, $0x4;
	v18 =	vor.u32 $0x8, v12;
	v19 =	vld.idx.msk [tilespmem:v10+s2+$0x0], $0xffff  }
0xcf: {  	v22 =	vor.u32 $0xB, v0;
	v0 =	vmovc v12;
	v20 =	vor.u32 $0x8, v17;
	v13 =	vshll.u32 v13, $0x4;
	v21 =	vld.idx.msk [tilespmem:v11+s2+$0x0], $0xffff  }
0xd0: {  	v10 =	vor.u32 $0x9, v17;
	v15 =	vshll.u32 v15, $0x4;
	v23 =	vor.u32 $0x8, v13;
	v24 =	vld.idx.msk [tilespmem:v3+s2+$0x0], $0xffff;
	v3 =	vmovc v9  }
0xd1: {  	v11 =	vor.u32 $0x9, v13;
	v25 =	vor.u32 $0x8, v15;
	v12 =	vor.u32 $0x9, v15;
	v26 =	vld.idx.msk [tilespmem:v2+s2+$0x0], $0xffff;
	v2 =	vmovc v8  }
0xd2: {  	v28 =	vor.u32 $0xA, v17;
	v29 =	vor.u32 $0xA, v13;
	v27 =	vor.u32 $0xA, v15;
	[tilespmem:s20+$0xFFFFF7D0] =	vst v16;
	v16 =	vld.idx.msk [tilespmem:v1+s2+$0x0], $0xffff;
	v1 =	vmovc v4  }
0xd3: {  	v9 =	vor.u32 $0xB, v15;
	v8 =	vor.u32 $0xB, v17;
	v4 =	vor.u32 $0xB, v13;
	v17 =	vld.idx.msk [tilespmem:v18+s2+$0x0], $0xffff;
	[tilespmem:s20+$0xFFFFFC00] =	vst v14  }
0xd4: {  	[tilespmem:s20+$0xFFFFF7E0] =	vst v19;
	v19 =	vld.idx.msk [tilespmem:v22+s2+$0x0], $0xffff  }
0xd5: {  	v18 =	vor.u32 $0x9, v0;
	v20 =	vld.idx.msk [tilespmem:v20+s2+$0x0], $0xffff;
	[tilespmem:s20+$0xFFFFF7F0] =	vst v21  }
0xd6: {  	v14 =	vld.idx.msk [tilespmem:v25+s2+$0x0], $0xffff;
	[tilespmem:s19+$0xFFFFFFD0] =	vst v24  }
.Ltmp2:
0xd7: {  	v13 =	vld.idx.msk [tilespmem:v23+s2+$0x0], $0xffff;
	[tilespmem:s19+$0xFFFFFFE0] =	vst v26;
	(pc) =	sbr.rel @p0 .LBB2_6-.Ltmp2, $4  }
0xd8: {  	v15 =	vld.idx.msk [tilespmem:v7+s2+$0x0], $0xffff;
	[tilespmem:s19+$0xFFFFFFF0] =	vst v16;
	v7 =	vmov v27;
	s19 =	smov.u32 s20;
	s20 =	sadd.s32 $0x40, s20  }
0xd9: {  	[tilespmem:s20+$0xFFFFF400] =	vst v17;
	v16 =	vld.idx.msk [tilespmem:v6+s2+$0x0], $0xffff;
	v6 =	vmov v28  }
0xda: {  	v18 =	vld.idx.msk [tilespmem:v18+s2+$0x0], $0xffff;
	[tilespmem:s19+$0x0] =	vst v19  }
0xdb: {  	s22 =	sadd.s32 $0x40, s22;
	[tilespmem:s20+$0xFFFFF3E0] =	vst v20;
	v17 =	vld.idx.msk [tilespmem:v5+s2+$0x0], $0xffff;
	v5 =	vmov v29  }
0xdc: {  	_ =	sdelay $0x3  }
0xdd: {  	[tilespmem:s20+$0xFFFFF3D0] =	vst v14;
	v14 =	vor.u32 $0xA, v0;
	v10 =	vld.idx.msk [tilespmem:v10+s2+$0x0], $0xffff  }
0xde: {  	[tilespmem:s20+$0xFFFFF3F0] =	vst v13;
	v12 =	vld.idx.msk [tilespmem:v12+s2+$0x0], $0xffff  }
0xdf: {  	v11 =	vld.idx.msk [tilespmem:v11+s2+$0x0], $0xffff  }
0xe0: {  	[tilespmem:s19+$0xFFFFFBD0] =	vst v15  }
0xe1: {  	[tilespmem:s20+$0xFFFFF800] =	vst v18  }
0xe2: {  	v13 =	vld.idx.msk [tilespmem:v14+s2+$0x0], $0xffff;
	[tilespmem:s20+$0xFFFFF7E0] =	vst v10  }
0xe3: {  	[tilespmem:s20+$0xFFFFF7D0] =	vst v12;
	v6 =	vld.idx.msk [tilespmem:v6+s2+$0x0], $0xffff  }
0xe4: {  	v0 =	vor.u32 $0xB, v0;
	[tilespmem:s20+$0xFFFFF7F0] =	vst v11;
	v7 =	vld.idx.msk [tilespmem:v7+s2+$0x0], $0xffff  }
0xe5: {  	[tilespmem:s19+$0xFFFFFBE0] =	vst v16;
	v5 =	vld.idx.msk [tilespmem:v5+s2+$0x0], $0xffff  }
0xe6: {  	v3 =	vld.idx.msk [tilespmem:v3+s2+$0x0], $0xffff;
	[tilespmem:s19+$0xFFFFFBF0] =	vst v17  }
0xe7: {  	v2 =	vld.idx.msk [tilespmem:v2+s2+$0x0], $0xffff;
	[tilespmem:s20+$0xFFFFFC00] =	vst v13  }
0xe8: {  	v1 =	vld.idx.msk [tilespmem:v1+s2+$0x0], $0xffff;
	[tilespmem:s20+$0xFFFFFBE0] =	vst v6  }
0xe9: {  	v0 =	vld.idx.msk [tilespmem:v0+s2+$0x0], $0xffff;
	[tilespmem:s20+$0xFFFFFBD0] =	vst v7  }
0xea: {  	[tilespmem:s20+$0xFFFFFBF0] =	vst v5;
	v5 =	vld.idx.msk [tilespmem:v8+s2+$0x0], $0xffff  }
0xeb: {  	[tilespmem:s19+$0xFFFFFFD0] =	vst v3;
	v3 =	vld.idx.msk [tilespmem:v9+s2+$0x0], $0xffff  }
0xec: {  	[tilespmem:s19+$0xFFFFFFE0] =	vst v2;
	v2 =	vld.idx.msk [tilespmem:v4+s2+$0x0], $0xffff  }
0xed: {  	[tilespmem:s19+$0xFFFFFFF0] =	vst v1  }
0xee: {  	[tilespmem:s20+$0x0] =	vst v0  }
0xef: {  	[tilespmem:s20+$0xFFFFFFE0] =	vst v5  }
0xf0: {  	[tilespmem:s20+$0xFFFFFFD0] =	vst v3  }
0xf1: {  	s30 =	simm.s32 $0x4020;
	[tilespmem:s20+$0xFFFFFFF0] =	vst v2  }
0xf2: {  	[hbm4b:s7+s2] =	stream.linear.scatter [tilespmem:s16], [sflag:$0x1], $0x1000, $0x38;
	[tilespmem:$0x8400] =	vst v63  }
0xf3: {  	v0 =	vld [tilespmem:s30+$0x10];
	_ =	sdelay $0x4  }
0xf4: {  	v2 =	vld [tilespmem:s30+$0xFFFFFFE0];
	v3 =	vshll.u32 v0, $0x4  }
0xf5: {  	v0 =	vor.u32 $0xC, v3;
	_ =	sdelay $0x2  }
0xf6: {  	v1 =	vld [tilespmem:s30+$0xFFFFFFF0]  }
0xf7: {  	v4 =	vld [tilespmem:s30+$0x0];
	v2 =	vshll.u32 v2, $0x4  }
0xf8: {  	s31 =	simm.s32 $0x4060;
	v6 =	vor.u32 $0xC, v2;
	v0 =	vld.idx.msk [tilespmem:v0+s2+$0x0], $0xffff  }
0xf9: {  	v12 =	vld [tilespmem:s31+$0xFFFFFFE0];
	v7 =	vor.u32 $0xD, v3  }
0xfa: {  	v10 =	vld [tilespmem:s31+$0xFFFFFFF0]  }
0xfb: {  	v1 =	vshll.u32 v1, $0x4  }
0xfc: {  	s19 =	simm.s32 $0x8030;
	v14 =	vld [tilespmem:s31+$0x0];
	v4 =	vshll.u32 v4, $0x4;
	v5 =	vor.u32 $0xC, v1  }
0xfd: {  	v8 =	vor.u32 $0xC, v4;
	v6 =	vld.idx.msk [tilespmem:v6+s2+$0x0], $0xffff;
	[tilespmem:s19+$0xFFFFF400] =	vst v0  }
0xfe: {  	v19 =	vshll.u32 v12, $0x4;
	v0 =	vld.idx.msk [tilespmem:v7+s2+$0x0], $0xffff  }
0xff: {  	v17 =	vshll.u32 v10, $0x4;
	v10 =	vor.u32 $0xC, v19;
	v7 =	vld [tilespmem:s31+$0x10]  }
0x100: {  	v9 =	vor.u32 $0xE, v3  }
0x101: {  	v11 =	vor.u32 $0xD, v2;
	v5 =	vld.idx.msk [tilespmem:v5+s2+$0x0], $0xffff  }
0x102: {  	v13 =	vor.u32 $0xD, v1;
	v8 =	vld.idx.msk [tilespmem:v8+s2+$0x0], $0xffff  }
0x103: {  	v15 =	vor.u32 $0xD, v4;
	[tilespmem:s19+$0xFFFFF3D0] =	vst v6  }
0x104: {  	v20 =	vshll.u32 v14, $0x4;
	v14 =	vld.idx.msk [tilespmem:v10+s2+$0x0], $0xffff;
	v6 =	vor.u32 $0xC, v17;
	[tilespmem:s19+$0xFFFFF800] =	vst v0;
	v0 =	vshll.u32 v7, $0x4  }
0x105: {  	v7 =	vld.idx.msk [tilespmem:v9+s2+$0x0], $0xffff;
	v9 =	vor.u32 $0xC, v0  }
0x106: {  	v3 =	vor.u32 $0xF, v3;
	[tilespmem:s19+$0xFFFFF3E0] =	vst v5;
	v5 =	vld.idx.msk [tilespmem:v11+s2+$0x0], $0xffff  }
0x107: {  	v12 =	vor.u32 $0xC, v20;
	[tilespmem:s19+$0xFFFFF3F0] =	vst v8;
	v8 =	vld.idx.msk [tilespmem:v13+s2+$0x0], $0xffff  }
0x108: {  	v11 =	vld.idx.msk [tilespmem:v15+s2+$0x0], $0xffff;
	v15 =	vor.u32 $0xE, v2  }
0x109: {  	v23 =	vor.u32 $0xE, v4;
	v22 =	vld.idx.msk [tilespmem:v6+s2+$0x0], $0xffff  }
0x10a: {  	v9 =	vld.idx.msk [tilespmem:v9+s2+$0x0], $0xffff;
	[tilespmem:s19+$0xFFFFFC00] =	vst v7;
	v7 =	vor.u32 $0xE, v1  }
0x10b: {  	[tilespmem:s19+$0xFFFFF7D0] =	vst v5;
	v18 =	vor.u32 $0xD, v0;
	v21 =	vld.idx.msk [tilespmem:v3+s2+$0x0], $0xffff  }
0x10c: {  	v13 =	vld.idx.msk [tilespmem:v12+s2+$0x0], $0xffff;
	[tilespmem:s19+$0xFFFFF7E0] =	vst v8  }
0x10d: {  	s20 =	simm.s32 $0x8070;
	v10 =	vor.u32 $0xD, v17;
	v12 =	vor.u32 $0xD, v19;
	v6 =	vor.u32 $0xE, v17;
	[tilespmem:s19+$0xFFFFF7F0] =	vst v11;
	v15 =	vld.idx.msk [tilespmem:v15+s2+$0x0], $0xffff  }
0x10e: {  	v11 =	vor.u32 $0xD, v20;
	v5 =	vor.u32 $0xE, v20;
	v8 =	vor.u32 $0xF, v17;
	v17 =	vld.idx.msk [tilespmem:v23+s2+$0x0], $0xffff;
	[tilespmem:s20+$0xFFFFF3E0] =	vst v22  }
0x10f: {  	v3 =	vor.u32 $0xF, v2;
	v2 =	vor.u32 $0xF, v1;
	v1 =	vor.u32 $0xF, v4;
	[tilespmem:s20+$0xFFFFF400] =	vst v9;
	v16 =	vld.idx.msk [tilespmem:v7+s2+$0x0], $0xffff  }
0x110: {  	s21 =	simm.s32 $0x4;
	s22 =	simm.s32 $0x40A0;
	v4 =	vor.u32 $0xF, v20;
	v7 =	vor.u32 $0xE, v19;
	v9 =	vor.u32 $0xF, v19;
	v18 =	vld.idx.msk [tilespmem:v18+s2+$0x0], $0xffff;
	[tilespmem:s19+$0x0] =	vst v21  }
.LBB2_8:
0x111: {  	v19 =	vld [tilespmem:s22+$0x10];
	s21 =	sadd.s32 $0x4, s21;
	[tilespmem:s20+$0xFFFFF3D0] =	vst v14;
	v14 =	vor.u32 $0xE, v0  }
0x112: {  	v20 =	vld [tilespmem:s22+$0xFFFFFFF0];
	p0 =	slt.u32 s21, $0x3C;
	[tilespmem:s20+$0xFFFFF3F0] =	vst v13  }
0x113: {  	v13 =	vld [tilespmem:s22+$0x0];
	[tilespmem:s19+$0xFFFFFBD0] =	vst v15  }
0x114: {  	v15 =	vld [tilespmem:s22+$0xFFFFFFE0];
	[tilespmem:s19+$0xFFFFFBE0] =	vst v16  }
0x115: {  	v16 =	vld.idx.msk [tilespmem:v12+s2+$0x0], $0xffff;
	[tilespmem:s20+$0xFFFFF800] =	vst v18  }
0x116: {  	v12 =	vshll.u32 v19, $0x4;
	v14 =	vld.idx.msk [tilespmem:v14+s2+$0x0], $0xffff;
	[tilespmem:s19+$0xFFFFFBF0] =	vst v17  }
0x117: {  	v17 =	vshll.u32 v20, $0x4;
	v18 =	vor.u32 $0xC, v12;
	v19 =	vld.idx.msk [tilespmem:v10+s2+$0x0], $0xffff  }
0x118: {  	v22 =	vor.u32 $0xF, v0;
	v0 =	vmovc v12;
	v20 =	vor.u32 $0xC, v17;
	v13 =	vshll.u32 v13, $0x4;
	v21 =	vld.idx.msk [tilespmem:v11+s2+$0x0], $0xffff  }
0x119: {  	v10 =	vor.u32 $0xD, v17;
	v15 =	vshll.u32 v15, $0x4;
	v23 =	vor.u32 $0xC, v13;
	v24 =	vld.idx.msk [tilespmem:v3+s2+$0x0], $0xffff;
	v3 =	vmovc v9  }
0x11a: {  	v11 =	vor.u32 $0xD, v13;
	v25 =	vor.u32 $0xC, v15;
	v12 =	vor.u32 $0xD, v15;
	v26 =	vld.idx.msk [tilespmem:v2+s2+$0x0], $0xffff;
	v2 =	vmovc v8  }
0x11b: {  	v28 =	vor.u32 $0xE, v17;
	v29 =	vor.u32 $0xE, v13;
	v27 =	vor.u32 $0xE, v15;
	[tilespmem:s20+$0xFFFFF7D0] =	vst v16;
	v16 =	vld.idx.msk [tilespmem:v1+s2+$0x0], $0xffff;
	v1 =	vmovc v4  }
0x11c: {  	v9 =	vor.u32 $0xF, v15;
	v8 =	vor.u32 $0xF, v17;
	v4 =	vor.u32 $0xF, v13;
	v17 =	vld.idx.msk [tilespmem:v18+s2+$0x0], $0xffff;
	[tilespmem:s20+$0xFFFFFC00] =	vst v14  }
0x11d: {  	[tilespmem:s20+$0xFFFFF7E0] =	vst v19;
	v19 =	vld.idx.msk [tilespmem:v22+s2+$0x0], $0xffff  }
0x11e: {  	v18 =	vor.u32 $0xD, v0;
	v20 =	vld.idx.msk [tilespmem:v20+s2+$0x0], $0xffff;
	[tilespmem:s20+$0xFFFFF7F0] =	vst v21  }
0x11f: {  	v14 =	vld.idx.msk [tilespmem:v25+s2+$0x0], $0xffff;
	[tilespmem:s19+$0xFFFFFFD0] =	vst v24  }
.Ltmp3:
0x120: {  	v13 =	vld.idx.msk [tilespmem:v23+s2+$0x0], $0xffff;
	[tilespmem:s19+$0xFFFFFFE0] =	vst v26;
	(pc) =	sbr.rel @p0 .LBB2_8-.Ltmp3, $4  }
0x121: {  	v15 =	vld.idx.msk [tilespmem:v7+s2+$0x0], $0xffff;
	[tilespmem:s19+$0xFFFFFFF0] =	vst v16;
	v7 =	vmov v27;
	s19 =	smov.u32 s20;
	s20 =	sadd.s32 $0x40, s20  }
0x122: {  	[tilespmem:s20+$0xFFFFF400] =	vst v17;
	v16 =	vld.idx.msk [tilespmem:v6+s2+$0x0], $0xffff;
	v6 =	vmov v28  }
0x123: {  	v18 =	vld.idx.msk [tilespmem:v18+s2+$0x0], $0xffff;
	[tilespmem:s19+$0x0] =	vst v19  }
0x124: {  	s22 =	sadd.s32 $0x40, s22;
	[tilespmem:s20+$0xFFFFF3E0] =	vst v20;
	v17 =	vld.idx.msk [tilespmem:v5+s2+$0x0], $0xffff;
	v5 =	vmov v29  }
0x125: {  	_ =	sdelay $0x3  }
0x126: {  	[tilespmem:s20+$0xFFFFF3D0] =	vst v14;
	v58 =	vor.u32 $0xE, v0;
	v10 =	vld.idx.msk [tilespmem:v10+s2+$0x0], $0xffff  }
0x127: {  	[tilespmem:s20+$0xFFFFF3F0] =	vst v13;
	v12 =	vld.idx.msk [tilespmem:v12+s2+$0x0], $0xffff  }
0x128: {  	[tilespmem:s19+$0xFFFFFBD0] =	vst v15;
	v11 =	vld.idx.msk [tilespmem:v11+s2+$0x0], $0xffff  }
0x129: {  	[tilespmem:s19+$0xFFFFFBE0] =	vst v16  }
0x12a: {  	v3 =	vld.idx.msk [tilespmem:v3+s2+$0x0], $0xffff;
	[tilespmem:s20+$0xFFFFF800] =	vst v18  }
0x12b: {  	v59 =	vld.idx.msk [tilespmem:v58+s2+$0x0], $0xffff;
	[tilespmem:s20+$0xFFFFF7E0] =	vst v10  }
0x12c: {  	v60 =	vor.u32 $0xF, v0;
	[tilespmem:s20+$0xFFFFF7D0] =	vst v12;
	v6 =	vld.idx.msk [tilespmem:v6+s2+$0x0], $0xffff  }
0x12d: {  	[tilespmem:s20+$0xFFFFF7F0] =	vst v11;
	v7 =	vld.idx.msk [tilespmem:v7+s2+$0x0], $0xffff  }
0x12e: {  	[tilespmem:s19+$0xFFFFFBF0] =	vst v17;
	v5 =	vld.idx.msk [tilespmem:v5+s2+$0x0], $0xffff  }
0x12f: {  	v2 =	vld.idx.msk [tilespmem:v2+s2+$0x0], $0xffff;
	[tilespmem:s19+$0xFFFFFFD0] =	vst v3  }
0x130: {  	v1 =	vld.idx.msk [tilespmem:v1+s2+$0x0], $0xffff;
	[tilespmem:s20+$0xFFFFFC00] =	vst v59  }
0x131: {  	v0 =	vld.idx.msk [tilespmem:v60+s2+$0x0], $0xffff;
	[tilespmem:s20+$0xFFFFFBE0] =	vst v6  }
0x132: {  	[tilespmem:s20+$0xFFFFFBD0] =	vst v7;
	v62 =	vld.idx.msk [tilespmem:v8+s2+$0x0], $0xffff  }
0x133: {  	[tilespmem:s20+$0xFFFFFBF0] =	vst v5;
	v61 =	vld.idx.msk [tilespmem:v9+s2+$0x0], $0xffff  }
0x134: {  	[tilespmem:s19+$0xFFFFFFE0] =	vst v2;
	v63 =	vld.idx.msk [tilespmem:v4+s2+$0x0], $0xffff  }
0x135: {  	[tilespmem:s19+$0xFFFFFFF0] =	vst v1  }
0x136: {  	[tilespmem:s20+$0x0] =	vst v0  }
0x137: {  	[tilespmem:s20+$0xFFFFFFE0] =	vst v62  }
0x138: {  	[tilespmem:s20+$0xFFFFFFD0] =	vst v61  }
0x139: {  	[tilespmem:s20+$0xFFFFFFF0] =	vst v63  }
0x13a: {  	[hbm4b:s8+s2] =	stream.linear.scatter [tilespmem:s17], [sflag:$0x1], $0x1000, $0x38;
	[tilespmem:$0x8400] =	vst v63  }
0x13b: {  	_ =	swait.ge [sflag:s13], $0x1000  }
0x13c: {  	[sflag:s13] =	ssyncset.done $0x0  }
0x13d: {  	[sflag:s13] =	ssyncadd.s32 $0xFFFFF000  }
0x13e: {  	_ =	swait.ge [sflag:s13], $0x1000  }
0x13f: {  	[sflag:s13] =	ssyncset.done $0x0  }
0x140: {  	s18 =	sadd.s32 $0x1, s18;
	[sflag:s13] =	ssyncadd.s32 $0xFFFFF000  }
0x141: {  	p0 =	sne.s32 s18, s9;
	_ =	swait.ge [sflag:s13], $0x1000  }
.Ltmp4:
0x142: {  	[sflag:s13] =	ssyncset.done $0x0;
	(pc) =	sbr.rel @p0 .LBB2_1-.Ltmp4, $4  }
0x143: {  	[sflag:s13] =	ssyncadd.s32 $0xFFFFF000  }
0x144: {  	_ =	swait.ge [sflag:s13], $0x1000  }
0x145: {  	[sflag:s13] =	ssyncset.done $0x0  }
0x146: {  	[sflag:s13] =	ssyncadd.s32 $0xFFFFF000  }
0x147: {  	_ =	sfence.sel $0x180000  }
0x148: {  	[bflag:$0x0] =	sbarrier.arrive $0xFFFF  }
0x149: {  	p0 =	sne.s32 s0, $0x0;
	_ =	strace $0x9000004A  }
0x14a: {  	s0 =	sadd.s32 @!p0 $0x100000, s1;
	[bflag:$0x2] =	sbarrier.arrive $0xFFFF  }
0x14b: {  	[sflag:s0] =	ssyncadd.tile.s32 @!p0 $0x1;
	_ =	shalt  }
.Lfunc_end2:
_tile_overlayer_lowered:
.L_overlay_start_2:
0x14c: {  	(tag) =	ssettag $0x2  }
0x14d: {  	s0 =	rddreg [dreg:$0x0];
	s2 =	stileid.u32  }
0x14e: {  	s1 =	rddreg [dreg:$0x1];
	p0 =	sne.s32 s2, $0x0  }
0x14f: {  	s3 =	rddreg [dreg:$0x2];
	[bflag:$0x3] =	sbarrier.arrive $0xFFFF;
	s2 =	simm.s32 @!p0 $0x1C02  }
0x150: {  	[timem:s3], [sflag:s2] =	dma.local @!p0 [hbm:s0], s1  }
0x151: {  	s0 =	simm.s32 @!p0 $0x2  }
0x152: {  	_ =	swait.ge @!p0 [sflag:s0], s1  }
0x153: {  	s1 =	ssub.s32 @!p0 $0x0, s1;
	[sflag:s0] =	ssyncset.done @!p0 $0x0  }
0x154: {  	[sflag:s0] =	ssyncadd.s32 @!p0 s1  }
0x155: {  	[bflag:$0x3] =	sbarrier.arrive $0xFFFF  }
0x156: {  	_ =	shalt  }

</sc_bundles>
